<compile_context>
chip_gen: v7x
topology: tpu7x:2x2x1
jax: 0.10.2.dev20260603
libtpu: 0.0.44.dev20260713+nightly
codegen_flags: <defaults>
</compile_context>

<pallas_src>
import functools

import jax
import jax.numpy as jnp
from jax import lax
from jax.experimental import pallas as pl
from jax.experimental.pallas import tpu as pltpu
from jax.experimental.pallas import tpu_sc as plsc

_CHUNK = 16
_NBUF = 4


def _make_gather(n_total, d, n_workers, num_cores):
    n_per_w = n_total // n_workers
    n_chunks = n_per_w // _CHUNK
    n_groups = n_chunks // _NBUF

    mesh = plsc.VectorSubcoreMesh(core_axis_name="c", subcore_axis_name="s")

    @functools.partial(
        pl.kernel,
        mesh=mesh,
        out_type=jax.ShapeDtypeStruct((n_total, d), jnp.float32),
        scratch_types=[
            pltpu.VMEM((n_per_w,), jnp.int32),
            pltpu.VMEM((_NBUF, _CHUNK, d), jnp.float32),
        ] + [pltpu.SemaphoreType.DMA] * (2 * _NBUF),
    )
    def gather_kernel(table_hbm, idx_hbm, out_hbm, idx_v, rows_v, *sems):
        wid = lax.axis_index("s") * num_cores + lax.axis_index("c")
        base = wid * n_per_w
        pltpu.sync_copy(idx_hbm.at[pl.ds(base, n_per_w)], idx_v)

        gsem = sems[:_NBUF]
        wsem = sems[_NBUF:]

        def gather_desc(j, b):
            return pltpu.make_async_copy(
                table_hbm.at[idx_v.at[pl.ds(j * _CHUNK, _CHUNK)]],
                rows_v.at[b],
                gsem[b],
            )

        def write_desc(j, b):
            return pltpu.make_async_copy(
                rows_v.at[b],
                out_hbm.at[pl.ds(base + j * _CHUNK, _CHUNK)],
                wsem[b],
            )

        for b in range(_NBUF):
            gather_desc(b, b).start()

        def body(t, carry):
            j = t * _NBUF
            for b in range(_NBUF):
                gather_desc(j + b, b).wait()
                write_desc(j + b, b).start()
            for b in range(_NBUF):
                write_desc(j + b, b).wait()
                gather_desc(j + _NBUF + b, b).start()
            return carry

        lax.fori_loop(0, n_groups - 1, body, 0)

        j = (n_groups - 1) * _NBUF
        for b in range(_NBUF):
            gather_desc(j + b, b).wait()
            write_desc(j + b, b).start()
        for b in range(_NBUF):
            write_desc(j + b, b).wait()

    return gather_kernel


def kernel(position_embedding, positional_index_batch):
    b, s = positional_index_batch.shape
    p, d = position_embedding.shape
    n_total = b * s
    idx_flat = positional_index_batch.reshape(n_total).astype(jnp.int32)

    info = plsc.get_sparse_core_info()
    n_workers = info.num_cores * info.num_subcores

    out_flat = _make_gather(n_total, d, n_workers, info.num_cores)(
        position_embedding, idx_flat
    )
    return out_flat.reshape(b, s, d)

# --- scband reference (transcript-rebuilt; emitter-appended) ---
"""Pipeline reference for scband-sinusoidal-positional-embeddings-70274254897896 (READ-ONLY COPY).

The authoritative reference and input builder live on the scoring server;
editing this copy changes nothing except your own understanding.
"""

import jax, jax.numpy as jnp
import numpy as np

MAX_SEQUENCE_SIZE = 8192
EMBEDDING_SIZE = 1024
THETA_BASE = 10000.0
BATCH = 4


def _build_table():
    P, D = MAX_SEQUENCE_SIZE, EMBEDDING_SIZE
    pos = jnp.arange(0, P, dtype=jnp.float32)[:, None]
    even_ids = jnp.arange(0, D, 2)
    odd_ids = jnp.arange(1, D, 2)
    theta_even = pos * (THETA_BASE ** (-2.0 * even_ids.astype(jnp.float32) / D))
    theta_odd = pos * (THETA_BASE ** (-2.0 * odd_ids.astype(jnp.float32) / D))
    table = jnp.ones((P, D), dtype=jnp.float32)
    table = table.at[:, even_ids].set(jnp.sin(theta_even))
    table = table.at[:, odd_ids].set(jnp.cos(theta_odd))
    return table


def setup_inputs(seed: int = 0) -> dict:
    key = jax.random.key(seed)
    positional_index_batch = jax.random.randint(
        key, (BATCH, MAX_SEQUENCE_SIZE), 0, MAX_SEQUENCE_SIZE, dtype=jnp.int64
        if jax.config.jax_enable_x64 else jnp.int32)
    position_embedding = _build_table()
    return {
        "position_embedding": position_embedding,
        "positional_index_batch": positional_index_batch,
    }


def reference(position_embedding, positional_index_batch):
    # torch.index_select(table, 0, single_batch) per batch row ==
    # batched gather along axis 0 -> [B, P, D]
    return jnp.take(position_embedding, positional_index_batch, axis=0)

if __name__ == "__main__":
    import jax
    _d = setup_inputs()
    print(jax.jit(kernel)(*tuple(_d.values())))

</pallas_src>

<mosaic_0001>
#map = affine_map<(d0, d1) -> (0, 0)>
#map1 = affine_map<(d0, d1) -> (0)>
module attributes {stable_mosaic.version = 14 : i64} {
  func.func @gather_kernel(%arg0: i32, %arg1: i32, %arg2: memref<8192x1024xf32, #tpu.memory_space<hbm>>, %arg3: memref<32768xi32, #tpu.memory_space<hbm>>, %arg4: memref<32768x1024xf32, #tpu.memory_space<hbm>>, %arg5: memref<1024xi32, #tpu.memory_space<vmem>>, %arg6: memref<4x16x1024xf32, #tpu.memory_space<vmem>>, %arg7: memref<!tpu.dma_semaphore, #tpu.memory_space<semaphore_mem>>, %arg8: memref<!tpu.dma_semaphore, #tpu.memory_space<semaphore_mem>>, %arg9: memref<!tpu.dma_semaphore, #tpu.memory_space<semaphore_mem>>, %arg10: memref<!tpu.dma_semaphore, #tpu.memory_space<semaphore_mem>>, %arg11: memref<!tpu.dma_semaphore, #tpu.memory_space<semaphore_mem>>, %arg12: memref<!tpu.dma_semaphore, #tpu.memory_space<semaphore_mem>>, %arg13: memref<!tpu.dma_semaphore, #tpu.memory_space<semaphore_mem>>, %arg14: memref<!tpu.dma_semaphore, #tpu.memory_space<semaphore_mem>>) attributes {dimension_semantics = [#tpu.dimension_semantics<core_parallel>, #tpu.dimension_semantics<subcore_parallel>], iteration_bounds = array<i64: 2, 16>, scalar_prefetch = 0 : i64, scratch_operands = 10 : i64, tpu.core_type = #tpu.core_type<sc_vector_subcore>, window_params = [{transform_indices = #map}, {transform_indices = #map1}, {transform_indices = #map}]} {
    %mul3A = arith.constant 2 : i32
    %mul3A_0 = arith.muli %arg1, %mul3A : i32
    %add3A = arith.addi %mul3A_0, %arg0 : i32
    %mul3A_1 = arith.constant 1024 : i32
    %mul3A_2 = arith.muli %add3A, %mul3A_1 : i32
    "tpu.region"() ({
      %run_scoped3A = tpu.sem_alloc : memref<!tpu.dma_semaphore, #tpu.memory_space<semaphore_mem>>
      %dma_start3A_206 = tpu.memref_slice %arg3[%mul3A_2] : memref<32768xi32, #tpu.memory_space<hbm>> -> memref<1024xi32, #tpu.memory_space<hbm>>
      %dma_start3A_207 = tpu.memref_slice %arg3[%mul3A_2] : memref<32768xi32, #tpu.memory_space<hbm>> -> memref<1024xi32, #tpu.memory_space<hbm>>
      tpu.enqueue_dma source(%dma_start3A_207 : memref<1024xi32, #tpu.memory_space<hbm>>) target(%arg5 : memref<1024xi32, #tpu.memory_space<vmem>>) target_semaphore(%run_scoped3A : memref<!tpu.dma_semaphore, #tpu.memory_space<semaphore_mem>>)
      %dma_wait3A_208 = tpu.memref_slice %arg3[%mul3A_2] : memref<32768xi32, #tpu.memory_space<hbm>> -> memref<1024xi32, #tpu.memory_space<hbm>>
      %dma_wait3A_209 = tpu.memref_slice %arg3[%mul3A_2] : memref<32768xi32, #tpu.memory_space<hbm>> -> memref<1024xi32, #tpu.memory_space<hbm>>
      tpu.wait_dma2 semaphore(%run_scoped3A : memref<!tpu.dma_semaphore, #tpu.memory_space<semaphore_mem>>) src(%dma_wait3A_209 : memref<1024xi32, #tpu.memory_space<hbm>>) dst(%arg5 : memref<1024xi32, #tpu.memory_space<vmem>>)
      tpu.yield
    }) : () -> ()
    %dma_start3A = arith.constant 0 : i32
    %dma_start3A_3 = arith.constant 0 : i32
    %dma_start3A_4 = arith.constant 0 : i32
    %dma_start3A_5 = tpu.memref_slice %arg6[%dma_start3A, %dma_start3A_3, %dma_start3A_4] : memref<4x16x1024xf32, #tpu.memory_space<vmem>> -> memref<1x16x1024xf32, #tpu.memory_space<vmem>>
    %dma_start3A_6 = tpu.memref_squeeze %dma_start3A_5 : memref<1x16x1024xf32, #tpu.memory_space<vmem>> -> memref<16x1024xf32, #tpu.memory_space<vmem>>
    %dma_start3A_7 = arith.constant 0 : i32
    %dma_start3A_8 = tpu.memref_slice %arg5[%dma_start3A_7] : memref<1024xi32, #tpu.memory_space<vmem>> -> memref<16xi32, #tpu.memory_space<vmem>>
    %dma_start3A_9 = arith.constant 0 : i32
    %dma_start3A_10 = arith.constant 0 : i32
    %dma_start3A_11 = tpu.memref_slice %arg2[%dma_start3A_9, %dma_start3A_10] : memref<8192x1024xf32, #tpu.memory_space<hbm>> -> memref<8192x1024xf32, #tpu.memory_space<hbm>>
    tpu.enqueue_indirect_dma source(%dma_start3A_11 : memref<8192x1024xf32, #tpu.memory_space<hbm>>) target(%dma_start3A_6 : memref<16x1024xf32, #tpu.memory_space<vmem>>) offsets(%dma_start3A_8 : memref<16xi32, #tpu.memory_space<vmem>>) semaphore(%arg7 : memref<!tpu.dma_semaphore, #tpu.memory_space<semaphore_mem>>)
    %dma_start3A_12 = arith.constant 1 : i32
    %dma_start3A_13 = arith.constant 0 : i32
    %dma_start3A_14 = arith.constant 0 : i32
    %dma_start3A_15 = tpu.memref_slice %arg6[%dma_start3A_12, %dma_start3A_13, %dma_start3A_14] : memref<4x16x1024xf32, #tpu.memory_space<vmem>> -> memref<1x16x1024xf32, #tpu.memory_space<vmem>>
    %dma_start3A_16 = tpu.memref_squeeze %dma_start3A_15 : memref<1x16x1024xf32, #tpu.memory_space<vmem>> -> memref<16x1024xf32, #tpu.memory_space<vmem>>
    %dma_start3A_17 = arith.constant 16 : i32
    %dma_start3A_18 = tpu.memref_slice %arg5[%dma_start3A_17] : memref<1024xi32, #tpu.memory_space<vmem>> -> memref<16xi32, #tpu.memory_space<vmem>>
    %dma_start3A_19 = arith.constant 0 : i32
    %dma_start3A_20 = arith.constant 0 : i32
    %dma_start3A_21 = tpu.memref_slice %arg2[%dma_start3A_19, %dma_start3A_20] : memref<8192x1024xf32, #tpu.memory_space<hbm>> -> memref<8192x1024xf32, #tpu.memory_space<hbm>>
    tpu.enqueue_indirect_dma source(%dma_start3A_21 : memref<8192x1024xf32, #tpu.memory_space<hbm>>) target(%dma_start3A_16 : memref<16x1024xf32, #tpu.memory_space<vmem>>) offsets(%dma_start3A_18 : memref<16xi32, #tpu.memory_space<vmem>>) semaphore(%arg8 : memref<!tpu.dma_semaphore, #tpu.memory_space<semaphore_mem>>)
    %dma_start3A_22 = arith.constant 2 : i32
    %dma_start3A_23 = arith.constant 0 : i32
    %dma_start3A_24 = arith.constant 0 : i32
    %dma_start3A_25 = tpu.memref_slice %arg6[%dma_start3A_22, %dma_start3A_23, %dma_start3A_24] : memref<4x16x1024xf32, #tpu.memory_space<vmem>> -> memref<1x16x1024xf32, #tpu.memory_space<vmem>>
    %dma_start3A_26 = tpu.memref_squeeze %dma_start3A_25 : memref<1x16x1024xf32, #tpu.memory_space<vmem>> -> memref<16x1024xf32, #tpu.memory_space<vmem>>
    %dma_start3A_27 = arith.constant 32 : i32
    %dma_start3A_28 = tpu.memref_slice %arg5[%dma_start3A_27] : memref<1024xi32, #tpu.memory_space<vmem>> -> memref<16xi32, #tpu.memory_space<vmem>>
    %dma_start3A_29 = arith.constant 0 : i32
    %dma_start3A_30 = arith.constant 0 : i32
    %dma_start3A_31 = tpu.memref_slice %arg2[%dma_start3A_29, %dma_start3A_30] : memref<8192x1024xf32, #tpu.memory_space<hbm>> -> memref<8192x1024xf32, #tpu.memory_space<hbm>>
    tpu.enqueue_indirect_dma source(%dma_start3A_31 : memref<8192x1024xf32, #tpu.memory_space<hbm>>) target(%dma_start3A_26 : memref<16x1024xf32, #tpu.memory_space<vmem>>) offsets(%dma_start3A_28 : memref<16xi32, #tpu.memory_space<vmem>>) semaphore(%arg9 : memref<!tpu.dma_semaphore, #tpu.memory_space<semaphore_mem>>)
    %dma_start3A_32 = arith.constant 3 : i32
    %dma_start3A_33 = arith.constant 0 : i32
    %dma_start3A_34 = arith.constant 0 : i32
    %dma_start3A_35 = tpu.memref_slice %arg6[%dma_start3A_32, %dma_start3A_33, %dma_start3A_34] : memref<4x16x1024xf32, #tpu.memory_space<vmem>> -> memref<1x16x1024xf32, #tpu.memory_space<vmem>>
    %dma_start3A_36 = tpu.memref_squeeze %dma_start3A_35 : memref<1x16x1024xf32, #tpu.memory_space<vmem>> -> memref<16x1024xf32, #tpu.memory_space<vmem>>
    %dma_start3A_37 = arith.constant 48 : i32
    %dma_start3A_38 = tpu.memref_slice %arg5[%dma_start3A_37] : memref<1024xi32, #tpu.memory_space<vmem>> -> memref<16xi32, #tpu.memory_space<vmem>>
    %dma_start3A_39 = arith.constant 0 : i32
    %dma_start3A_40 = arith.constant 0 : i32
    %dma_start3A_41 = tpu.memref_slice %arg2[%dma_start3A_39, %dma_start3A_40] : memref<8192x1024xf32, #tpu.memory_space<hbm>> -> memref<8192x1024xf32, #tpu.memory_space<hbm>>
    tpu.enqueue_indirect_dma source(%dma_start3A_41 : memref<8192x1024xf32, #tpu.memory_space<hbm>>) target(%dma_start3A_36 : memref<16x1024xf32, #tpu.memory_space<vmem>>) offsets(%dma_start3A_38 : memref<16xi32, #tpu.memory_space<vmem>>) semaphore(%arg10 : memref<!tpu.dma_semaphore, #tpu.memory_space<semaphore_mem>>)
    %scan3A = arith.constant 0 : i32
    %scan3A_42 = arith.constant 0 : i32
    %scan3A_43 = arith.constant 15 : i32
    %scan3A_44 = arith.addi %scan3A_42, %scan3A_43 : i32
    %scan3A_45 = arith.constant 1 : i32
    scf.for %scan3A_206 = %scan3A_42 to %scan3A_44 step %scan3A_45  : i32 {
      %mul3A_207 = arith.constant 4 : i32
      %mul3A_208 = arith.muli %scan3A_206, %mul3A_207 : i32
      %add3A_209 = arith.constant 0 : i32
      %add3A_210 = arith.addi %mul3A_208, %add3A_209 : i32
      %mul3A_211 = arith.constant 16 : i32
      %mul3A_212 = arith.muli %add3A_210, %mul3A_211 : i32
      %dma_wait3A_213 = arith.constant 0 : i32
      %dma_wait3A_214 = arith.constant 0 : i32
      %dma_wait3A_215 = arith.constant 0 : i32
      %dma_wait3A_216 = tpu.memref_slice %arg6[%dma_wait3A_213, %dma_wait3A_214, %dma_wait3A_215] : memref<4x16x1024xf32, #tpu.memory_space<vmem>> -> memref<1x16x1024xf32, #tpu.memory_space<vmem>>
      %dma_wait3A_217 = tpu.memref_squeeze %dma_wait3A_216 : memref<1x16x1024xf32, #tpu.memory_space<vmem>> -> memref<16x1024xf32, #tpu.memory_space<vmem>>
      %dma_wait3A_218 = tpu.memref_slice %arg5[%mul3A_212] : memref<1024xi32, #tpu.memory_space<vmem>> -> memref<16xi32, #tpu.memory_space<vmem>>
      %dma_wait3A_219 = arith.constant 0 : i32
      %dma_wait3A_220 = arith.constant 0 : i32
      %dma_wait3A_221 = tpu.memref_slice %arg2[%dma_wait3A_219, %dma_wait3A_220] : memref<8192x1024xf32, #tpu.memory_space<hbm>> -> memref<8192x1024xf32, #tpu.memory_space<hbm>>
      tpu.wait_indirect_dma semaphore(%arg7 : memref<!tpu.dma_semaphore, #tpu.memory_space<semaphore_mem>>) src(%dma_wait3A_221 : memref<8192x1024xf32, #tpu.memory_space<hbm>>) dst(%dma_wait3A_217 : memref<16x1024xf32, #tpu.memory_space<vmem>>)
      %add3A_222 = arith.constant 0 : i32
      %add3A_223 = arith.addi %mul3A_208, %add3A_222 : i32
      %mul3A_224 = arith.constant 16 : i32
      %mul3A_225 = arith.muli %add3A_223, %mul3A_224 : i32
      %add3A_226 = arith.addi %mul3A_2, %mul3A_225 : i32
      %dma_start3A_227 = arith.constant 0 : i32
      %dma_start3A_228 = arith.constant 0 : i32
      %dma_start3A_229 = arith.constant 0 : i32
      %dma_start3A_230 = tpu.memref_slice %arg6[%dma_start3A_227, %dma_start3A_228, %dma_start3A_229] : memref<4x16x1024xf32, #tpu.memory_space<vmem>> -> memref<1x16x1024xf32, #tpu.memory_space<vmem>>
      %dma_start3A_231 = tpu.memref_squeeze %dma_start3A_230 : memref<1x16x1024xf32, #tpu.memory_space<vmem>> -> memref<16x1024xf32, #tpu.memory_space<vmem>>
      %dma_start3A_232 = arith.constant 0 : i32
      %dma_start3A_233 = tpu.memref_slice %arg4[%add3A_226, %dma_start3A_232] : memref<32768x1024xf32, #tpu.memory_space<hbm>> -> memref<16x1024xf32, #tpu.memory_space<hbm>>
      %dma_start3A_234 = arith.constant 0 : i32
      %dma_start3A_235 = tpu.memref_slice %arg4[%add3A_226, %dma_start3A_234] : memref<32768x1024xf32, #tpu.memory_space<hbm>> -> memref<16x1024xf32, #tpu.memory_space<hbm>>
      %dma_start3A_236 = arith.constant 0 : i32
      %dma_start3A_237 = arith.constant 0 : i32
      %dma_start3A_238 = tpu.memref_slice %arg6[%dma_start3A_227, %dma_start3A_236, %dma_start3A_237] : memref<4x16x1024xf32, #tpu.memory_space<vmem>> -> memref<1x16x1024xf32, #tpu.memory_space<vmem>>
      %dma_start3A_239 = tpu.memref_squeeze %dma_start3A_238 : memref<1x16x1024xf32, #tpu.memory_space<vmem>> -> memref<16x1024xf32, #tpu.memory_space<vmem>>
      tpu.enqueue_dma source(%dma_start3A_239 : memref<16x1024xf32, #tpu.memory_space<vmem>>) target(%dma_start3A_235 : memref<16x1024xf32, #tpu.memory_space<hbm>>) target_semaphore(%arg11 : memref<!tpu.dma_semaphore, #tpu.memory_space<semaphore_mem>>)
      %add3A_240 = arith.constant 1 : i32
      %add3A_241 = arith.addi %mul3A_208, %add3A_240 : i32
      %mul3A_242 = arith.constant 16 : i32
      %mul3A_243 = arith.muli %add3A_241, %mul3A_242 : i32
      %dma_wait3A_244 = arith.constant 1 : i32
      %dma_wait3A_245 = arith.constant 0 : i32
      %dma_wait3A_246 = arith.constant 0 : i32
      %dma_wait3A_247 = tpu.memref_slice %arg6[%dma_wait3A_244, %dma_wait3A_245, %dma_wait3A_246] : memref<4x16x1024xf32, #tpu.memory_space<vmem>> -> memref<1x16x1024xf32, #tpu.memory_space<vmem>>
      %dma_wait3A_248 = tpu.memref_squeeze %dma_wait3A_247 : memref<1x16x1024xf32, #tpu.memory_space<vmem>> -> memref<16x1024xf32, #tpu.memory_space<vmem>>
      %dma_wait3A_249 = tpu.memref_slice %arg5[%mul3A_243] : memref<1024xi32, #tpu.memory_space<vmem>> -> memref<16xi32, #tpu.memory_space<vmem>>
      %dma_wait3A_250 = arith.constant 0 : i32
      %dma_wait3A_251 = arith.constant 0 : i32
      %dma_wait3A_252 = tpu.memref_slice %arg2[%dma_wait3A_250, %dma_wait3A_251] : memref<8192x1024xf32, #tpu.memory_space<hbm>> -> memref<8192x1024xf32, #tpu.memory_space<hbm>>
      tpu.wait_indirect_dma semaphore(%arg8 : memref<!tpu.dma_semaphore, #tpu.memory_space<semaphore_mem>>) src(%dma_wait3A_252 : memref<8192x1024xf32, #tpu.memory_space<hbm>>) dst(%dma_wait3A_248 : memref<16x1024xf32, #tpu.memory_space<vmem>>)
      %add3A_253 = arith.constant 1 : i32
      %add3A_254 = arith.addi %mul3A_208, %add3A_253 : i32
      %mul3A_255 = arith.constant 16 : i32
      %mul3A_256 = arith.muli %add3A_254, %mul3A_255 : i32
      %add3A_257 = arith.addi %mul3A_2, %mul3A_256 : i32
      %dma_start3A_258 = arith.constant 1 : i32
      %dma_start3A_259 = arith.constant 0 : i32
      %dma_start3A_260 = arith.constant 0 : i32
      %dma_start3A_261 = tpu.memref_slice %arg6[%dma_start3A_258, %dma_start3A_259, %dma_start3A_260] : memref<4x16x1024xf32, #tpu.memory_space<vmem>> -> memref<1x16x1024xf32, #tpu.memory_space<vmem>>
      %dma_start3A_262 = tpu.memref_squeeze %dma_start3A_261 : memref<1x16x1024xf32, #tpu.memory_space<vmem>> -> memref<16x1024xf32, #tpu.memory_space<vmem>>
      %dma_start3A_263 = arith.constant 0 : i32
      %dma_start3A_264 = tpu.memref_slice %arg4[%add3A_257, %dma_start3A_263] : memref<32768x1024xf32, #tpu.memory_space<hbm>> -> memref<16x1024xf32, #tpu.memory_space<hbm>>
      %dma_start3A_265 = arith.constant 0 : i32
      %dma_start3A_266 = tpu.memref_slice %arg4[%add3A_257, %dma_start3A_265] : memref<32768x1024xf32, #tpu.memory_space<hbm>> -> memref<16x1024xf32, #tpu.memory_space<hbm>>
      %dma_start3A_267 = arith.constant 0 : i32
      %dma_start3A_268 = arith.constant 0 : i32
      %dma_start3A_269 = tpu.memref_slice %arg6[%dma_start3A_258, %dma_start3A_267, %dma_start3A_268] : memref<4x16x1024xf32, #tpu.memory_space<vmem>> -> memref<1x16x1024xf32, #tpu.memory_space<vmem>>
      %dma_start3A_270 = tpu.memref_squeeze %dma_start3A_269 : memref<1x16x1024xf32, #tpu.memory_space<vmem>> -> memref<16x1024xf32, #tpu.memory_space<vmem>>
      tpu.enqueue_dma source(%dma_start3A_270 : memref<16x1024xf32, #tpu.memory_space<vmem>>) target(%dma_start3A_266 : memref<16x1024xf32, #tpu.memory_space<hbm>>) target_semaphore(%arg12 : memref<!tpu.dma_semaphore, #tpu.memory_space<semaphore_mem>>)
      %add3A_271 = arith.constant 2 : i32
      %add3A_272 = arith.addi %mul3A_208, %add3A_271 : i32
      %mul3A_273 = arith.constant 16 : i32
      %mul3A_274 = arith.muli %add3A_272, %mul3A_273 : i32
      %dma_wait3A_275 = arith.constant 2 : i32
      %dma_wait3A_276 = arith.constant 0 : i32
      %dma_wait3A_277 = arith.constant 0 : i32
      %dma_wait3A_278 = tpu.memref_slice %arg6[%dma_wait3A_275, %dma_wait3A_276, %dma_wait3A_277] : memref<4x16x1024xf32, #tpu.memory_space<vmem>> -> memref<1x16x1024xf32, #tpu.memory_space<vmem>>
      %dma_wait3A_279 = tpu.memref_squeeze %dma_wait3A_278 : memref<1x16x1024xf32, #tpu.memory_space<vmem>> -> memref<16x1024xf32, #tpu.memory_space<vmem>>
      %dma_wait3A_280 = tpu.memref_slice %arg5[%mul3A_274] : memref<1024xi32, #tpu.memory_space<vmem>> -> memref<16xi32, #tpu.memory_space<vmem>>
      %dma_wait3A_281 = arith.constant 0 : i32
      %dma_wait3A_282 = arith.constant 0 : i32
      %dma_wait3A_283 = tpu.memref_slice %arg2[%dma_wait3A_281, %dma_wait3A_282] : memref<8192x1024xf32, #tpu.memory_space<hbm>> -> memref<8192x1024xf32, #tpu.memory_space<hbm>>
      tpu.wait_indirect_dma semaphore(%arg9 : memref<!tpu.dma_semaphore, #tpu.memory_space<semaphore_mem>>) src(%dma_wait3A_283 : memref<8192x1024xf32, #tpu.memory_space<hbm>>) dst(%dma_wait3A_279 : memref<16x1024xf32, #tpu.memory_space<vmem>>)
      %add3A_284 = arith.constant 2 : i32
      %add3A_285 = arith.addi %mul3A_208, %add3A_284 : i32
      %mul3A_286 = arith.constant 16 : i32
      %mul3A_287 = arith.muli %add3A_285, %mul3A_286 : i32
      %add3A_288 = arith.addi %mul3A_2, %mul3A_287 : i32
      %dma_start3A_289 = arith.constant 2 : i32
      %dma_start3A_290 = arith.constant 0 : i32
      %dma_start3A_291 = arith.constant 0 : i32
      %dma_start3A_292 = tpu.memref_slice %arg6[%dma_start3A_289, %dma_start3A_290, %dma_start3A_291] : memref<4x16x1024xf32, #tpu.memory_space<vmem>> -> memref<1x16x1024xf32, #tpu.memory_space<vmem>>
      %dma_start3A_293 = tpu.memref_squeeze %dma_start3A_292 : memref<1x16x1024xf32, #tpu.memory_space<vmem>> -> memref<16x1024xf32, #tpu.memory_space<vmem>>
      %dma_start3A_294 = arith.constant 0 : i32
      %dma_start3A_295 = tpu.memref_slice %arg4[%add3A_288, %dma_start3A_294] : memref<32768x1024xf32, #tpu.memory_space<hbm>> -> memref<16x1024xf32, #tpu.memory_space<hbm>>
      %dma_start3A_296 = arith.constant 0 : i32
      %dma_start3A_297 = tpu.memref_slice %arg4[%add3A_288, %dma_start3A_296] : memref<32768x1024xf32, #tpu.memory_space<hbm>> -> memref<16x1024xf32, #tpu.memory_space<hbm>>
      %dma_start3A_298 = arith.constant 0 : i32
      %dma_start3A_299 = arith.constant 0 : i32
      %dma_start3A_300 = tpu.memref_slice %arg6[%dma_start3A_289, %dma_start3A_298, %dma_start3A_299] : memref<4x16x1024xf32, #tpu.memory_space<vmem>> -> memref<1x16x1024xf32, #tpu.memory_space<vmem>>
      %dma_start3A_301 = tpu.memref_squeeze %dma_start3A_300 : memref<1x16x1024xf32, #tpu.memory_space<vmem>> -> memref<16x1024xf32, #tpu.memory_space<vmem>>
      tpu.enqueue_dma source(%dma_start3A_301 : memref<16x1024xf32, #tpu.memory_space<vmem>>) target(%dma_start3A_297 : memref<16x1024xf32, #tpu.memory_space<hbm>>) target_semaphore(%arg13 : memref<!tpu.dma_semaphore, #tpu.memory_space<semaphore_mem>>)
      %add3A_302 = arith.constant 3 : i32
      %add3A_303 = arith.addi %mul3A_208, %add3A_302 : i32
      %mul3A_304 = arith.constant 16 : i32
      %mul3A_305 = arith.muli %add3A_303, %mul3A_304 : i32
      %dma_wait3A_306 = arith.constant 3 : i32
      %dma_wait3A_307 = arith.constant 0 : i32
      %dma_wait3A_308 = arith.constant 0 : i32
      %dma_wait3A_309 = tpu.memref_slice %arg6[%dma_wait3A_306, %dma_wait3A_307, %dma_wait3A_308] : memref<4x16x1024xf32, #tpu.memory_space<vmem>> -> memref<1x16x1024xf32, #tpu.memory_space<vmem>>
      %dma_wait3A_310 = tpu.memref_squeeze %dma_wait3A_309 : memref<1x16x1024xf32, #tpu.memory_space<vmem>> -> memref<16x1024xf32, #tpu.memory_space<vmem>>
      %dma_wait3A_311 = tpu.memref_slice %arg5[%mul3A_305] : memref<1024xi32, #tpu.memory_space<vmem>> -> memref<16xi32, #tpu.memory_space<vmem>>
      %dma_wait3A_312 = arith.constant 0 : i32
      %dma_wait3A_313 = arith.constant 0 : i32
      %dma_wait3A_314 = tpu.memref_slice %arg2[%dma_wait3A_312, %dma_wait3A_313] : memref<8192x1024xf32, #tpu.memory_space<hbm>> -> memref<8192x1024xf32, #tpu.memory_space<hbm>>
      tpu.wait_indirect_dma semaphore(%arg10 : memref<!tpu.dma_semaphore, #tpu.memory_space<semaphore_mem>>) src(%dma_wait3A_314 : memref<8192x1024xf32, #tpu.memory_space<hbm>>) dst(%dma_wait3A_310 : memref<16x1024xf32, #tpu.memory_space<vmem>>)
      %add3A_315 = arith.constant 3 : i32
      %add3A_316 = arith.addi %mul3A_208, %add3A_315 : i32
      %mul3A_317 = arith.constant 16 : i32
      %mul3A_318 = arith.muli %add3A_316, %mul3A_317 : i32
      %add3A_319 = arith.addi %mul3A_2, %mul3A_318 : i32
      %dma_start3A_320 = arith.constant 3 : i32
      %dma_start3A_321 = arith.constant 0 : i32
      %dma_start3A_322 = arith.constant 0 : i32
      %dma_start3A_323 = tpu.memref_slice %arg6[%dma_start3A_320, %dma_start3A_321, %dma_start3A_322] : memref<4x16x1024xf32, #tpu.memory_space<vmem>> -> memref<1x16x1024xf32, #tpu.memory_space<vmem>>
      %dma_start3A_324 = tpu.memref_squeeze %dma_start3A_323 : memref<1x16x1024xf32, #tpu.memory_space<vmem>> -> memref<16x1024xf32, #tpu.memory_space<vmem>>
      %dma_start3A_325 = arith.constant 0 : i32
      %dma_start3A_326 = tpu.memref_slice %arg4[%add3A_319, %dma_start3A_325] : memref<32768x1024xf32, #tpu.memory_space<hbm>> -> memref<16x1024xf32, #tpu.memory_space<hbm>>
      %dma_start3A_327 = arith.constant 0 : i32
      %dma_start3A_328 = tpu.memref_slice %arg4[%add3A_319, %dma_start3A_327] : memref<32768x1024xf32, #tpu.memory_space<hbm>> -> memref<16x1024xf32, #tpu.memory_space<hbm>>
      %dma_start3A_329 = arith.constant 0 : i32
      %dma_start3A_330 = arith.constant 0 : i32
      %dma_start3A_331 = tpu.memref_slice %arg6[%dma_start3A_320, %dma_start3A_329, %dma_start3A_330] : memref<4x16x1024xf32, #tpu.memory_space<vmem>> -> memref<1x16x1024xf32, #tpu.memory_space<vmem>>
      %dma_start3A_332 = tpu.memref_squeeze %dma_start3A_331 : memref<1x16x1024xf32, #tpu.memory_space<vmem>> -> memref<16x1024xf32, #tpu.memory_space<vmem>>
      tpu.enqueue_dma source(%dma_start3A_332 : memref<16x1024xf32, #tpu.memory_space<vmem>>) target(%dma_start3A_328 : memref<16x1024xf32, #tpu.memory_space<hbm>>) target_semaphore(%arg14 : memref<!tpu.dma_semaphore, #tpu.memory_space<semaphore_mem>>)
      %add3A_333 = arith.constant 0 : i32
      %add3A_334 = arith.addi %mul3A_208, %add3A_333 : i32
      %mul3A_335 = arith.constant 16 : i32
      %mul3A_336 = arith.muli %add3A_334, %mul3A_335 : i32
      %add3A_337 = arith.addi %mul3A_2, %mul3A_336 : i32
      %dma_wait3A_338 = arith.constant 0 : i32
      %dma_wait3A_339 = arith.constant 0 : i32
      %dma_wait3A_340 = arith.constant 0 : i32
      %dma_wait3A_341 = tpu.memref_slice %arg6[%dma_wait3A_338, %dma_wait3A_339, %dma_wait3A_340] : memref<4x16x1024xf32, #tpu.memory_space<vmem>> -> memref<1x16x1024xf32, #tpu.memory_space<vmem>>
      %dma_wait3A_342 = tpu.memref_squeeze %dma_wait3A_341 : memref<1x16x1024xf32, #tpu.memory_space<vmem>> -> memref<16x1024xf32, #tpu.memory_space<vmem>>
      %dma_wait3A_343 = arith.constant 0 : i32
      %dma_wait3A_344 = tpu.memref_slice %arg4[%add3A_337, %dma_wait3A_343] : memref<32768x1024xf32, #tpu.memory_space<hbm>> -> memref<16x1024xf32, #tpu.memory_space<hbm>>
      %dma_wait3A_345 = arith.constant 0 : i32
      %dma_wait3A_346 = tpu.memref_slice %arg4[%add3A_337, %dma_wait3A_345] : memref<32768x1024xf32, #tpu.memory_space<hbm>> -> memref<16x1024xf32, #tpu.memory_space<hbm>>
      %dma_wait3A_347 = arith.constant 0 : i32
      %dma_wait3A_348 = arith.constant 0 : i32
      %dma_wait3A_349 = tpu.memref_slice %arg6[%dma_wait3A_338, %dma_wait3A_347, %dma_wait3A_348] : memref<4x16x1024xf32, #tpu.memory_space<vmem>> -> memref<1x16x1024xf32, #tpu.memory_space<vmem>>
      %dma_wait3A_350 = tpu.memref_squeeze %dma_wait3A_349 : memref<1x16x1024xf32, #tpu.memory_space<vmem>> -> memref<16x1024xf32, #tpu.memory_space<vmem>>
      tpu.wait_dma2 semaphore(%arg11 : memref<!tpu.dma_semaphore, #tpu.memory_space<semaphore_mem>>) src(%dma_wait3A_350 : memref<16x1024xf32, #tpu.memory_space<vmem>>) dst(%dma_wait3A_346 : memref<16x1024xf32, #tpu.memory_space<hbm>>)
      %add3A_351 = arith.constant 4 : i32
      %add3A_352 = arith.addi %mul3A_208, %add3A_351 : i32
      %add3A_353 = arith.constant 0 : i32
      %add3A_354 = arith.addi %add3A_352, %add3A_353 : i32
      %mul3A_355 = arith.constant 16 : i32
      %mul3A_356 = arith.muli %add3A_354, %mul3A_355 : i32
      %dma_start3A_357 = arith.constant 0 : i32
      %dma_start3A_358 = arith.constant 0 : i32
      %dma_start3A_359 = arith.constant 0 : i32
      %dma_start3A_360 = tpu.memref_slice %arg6[%dma_start3A_357, %dma_start3A_358, %dma_start3A_359] : memref<4x16x1024xf32, #tpu.memory_space<vmem>> -> memref<1x16x1024xf32, #tpu.memory_space<vmem>>
      %dma_start3A_361 = tpu.memref_squeeze %dma_start3A_360 : memref<1x16x1024xf32, #tpu.memory_space<vmem>> -> memref<16x1024xf32, #tpu.memory_space<vmem>>
      %dma_start3A_362 = tpu.memref_slice %arg5[%mul3A_356] : memref<1024xi32, #tpu.memory_space<vmem>> -> memref<16xi32, #tpu.memory_space<vmem>>
      %dma_start3A_363 = arith.constant 0 : i32
      %dma_start3A_364 = arith.constant 0 : i32
      %dma_start3A_365 = tpu.memref_slice %arg2[%dma_start3A_363, %dma_start3A_364] : memref<8192x1024xf32, #tpu.memory_space<hbm>> -> memref<8192x1024xf32, #tpu.memory_space<hbm>>
      tpu.enqueue_indirect_dma source(%dma_start3A_365 : memref<8192x1024xf32, #tpu.memory_space<hbm>>) target(%dma_start3A_361 : memref<16x1024xf32, #tpu.memory_space<vmem>>) offsets(%dma_start3A_362 : memref<16xi32, #tpu.memory_space<vmem>>) semaphore(%arg7 : memref<!tpu.dma_semaphore, #tpu.memory_space<semaphore_mem>>)
      %add3A_366 = arith.constant 1 : i32
      %add3A_367 = arith.addi %mul3A_208, %add3A_366 : i32
      %mul3A_368 = arith.constant 16 : i32
      %mul3A_369 = arith.muli %add3A_367, %mul3A_368 : i32
      %add3A_370 = arith.addi %mul3A_2, %mul3A_369 : i32
      %dma_wait3A_371 = arith.constant 1 : i32
      %dma_wait3A_372 = arith.constant 0 : i32
      %dma_wait3A_373 = arith.constant 0 : i32
      %dma_wait3A_374 = tpu.memref_slice %arg6[%dma_wait3A_371, %dma_wait3A_372, %dma_wait3A_373] : memref<4x16x1024xf32, #tpu.memory_space<vmem>> -> memref<1x16x1024xf32, #tpu.memory_space<vmem>>
      %dma_wait3A_375 = tpu.memref_squeeze %dma_wait3A_374 : memref<1x16x1024xf32, #tpu.memory_space<vmem>> -> memref<16x1024xf32, #tpu.memory_space<vmem>>
      %dma_wait3A_376 = arith.constant 0 : i32
      %dma_wait3A_377 = tpu.memref_slice %arg4[%add3A_370, %dma_wait3A_376] : memref<32768x1024xf32, #tpu.memory_space<hbm>> -> memref<16x1024xf32, #tpu.memory_space<hbm>>
      %dma_wait3A_378 = arith.constant 0 : i32
      %dma_wait3A_379 = tpu.memref_slice %arg4[%add3A_370, %dma_wait3A_378] : memref<32768x1024xf32, #tpu.memory_space<hbm>> -> memref<16x1024xf32, #tpu.memory_space<hbm>>
      %dma_wait3A_380 = arith.constant 0 : i32
      %dma_wait3A_381 = arith.constant 0 : i32
      %dma_wait3A_382 = tpu.memref_slice %arg6[%dma_wait3A_371, %dma_wait3A_380, %dma_wait3A_381] : memref<4x16x1024xf32, #tpu.memory_space<vmem>> -> memref<1x16x1024xf32, #tpu.memory_space<vmem>>
      %dma_wait3A_383 = tpu.memref_squeeze %dma_wait3A_382 : memref<1x16x1024xf32, #tpu.memory_space<vmem>> -> memref<16x1024xf32, #tpu.memory_space<vmem>>
      tpu.wait_dma2 semaphore(%arg12 : memref<!tpu.dma_semaphore, #tpu.memory_space<semaphore_mem>>) src(%dma_wait3A_383 : memref<16x1024xf32, #tpu.memory_space<vmem>>) dst(%dma_wait3A_379 : memref<16x1024xf32, #tpu.memory_space<hbm>>)
      %add3A_384 = arith.constant 4 : i32
      %add3A_385 = arith.addi %mul3A_208, %add3A_384 : i32
      %add3A_386 = arith.constant 1 : i32
      %add3A_387 = arith.addi %add3A_385, %add3A_386 : i32
      %mul3A_388 = arith.constant 16 : i32
      %mul3A_389 = arith.muli %add3A_387, %mul3A_388 : i32
      %dma_start3A_390 = arith.constant 1 : i32
      %dma_start3A_391 = arith.constant 0 : i32
      %dma_start3A_392 = arith.constant 0 : i32
      %dma_start3A_393 = tpu.memref_slice %arg6[%dma_start3A_390, %dma_start3A_391, %dma_start3A_392] : memref<4x16x1024xf32, #tpu.memory_space<vmem>> -> memref<1x16x1024xf32, #tpu.memory_space<vmem>>
      %dma_start3A_394 = tpu.memref_squeeze %dma_start3A_393 : memref<1x16x1024xf32, #tpu.memory_space<vmem>> -> memref<16x1024xf32, #tpu.memory_space<vmem>>
      %dma_start3A_395 = tpu.memref_slice %arg5[%mul3A_389] : memref<1024xi32, #tpu.memory_space<vmem>> -> memref<16xi32, #tpu.memory_space<vmem>>
      %dma_start3A_396 = arith.constant 0 : i32
      %dma_start3A_397 = arith.constant 0 : i32
      %dma_start3A_398 = tpu.memref_slice %arg2[%dma_start3A_396, %dma_start3A_397] : memref<8192x1024xf32, #tpu.memory_space<hbm>> -> memref<8192x1024xf32, #tpu.memory_space<hbm>>
      tpu.enqueue_indirect_dma source(%dma_start3A_398 : memref<8192x1024xf32, #tpu.memory_space<hbm>>) target(%dma_start3A_394 : memref<16x1024xf32, #tpu.memory_space<vmem>>) offsets(%dma_start3A_395 : memref<16xi32, #tpu.memory_space<vmem>>) semaphore(%arg8 : memref<!tpu.dma_semaphore, #tpu.memory_space<semaphore_mem>>)
      %add3A_399 = arith.constant 2 : i32
      %add3A_400 = arith.addi %mul3A_208, %add3A_399 : i32
      %mul3A_401 = arith.constant 16 : i32
      %mul3A_402 = arith.muli %add3A_400, %mul3A_401 : i32
      %add3A_403 = arith.addi %mul3A_2, %mul3A_402 : i32
      %dma_wait3A_404 = arith.constant 2 : i32
      %dma_wait3A_405 = arith.constant 0 : i32
      %dma_wait3A_406 = arith.constant 0 : i32
      %dma_wait3A_407 = tpu.memref_slice %arg6[%dma_wait3A_404, %dma_wait3A_405, %dma_wait3A_406] : memref<4x16x1024xf32, #tpu.memory_space<vmem>> -> memref<1x16x1024xf32, #tpu.memory_space<vmem>>
      %dma_wait3A_408 = tpu.memref_squeeze %dma_wait3A_407 : memref<1x16x1024xf32, #tpu.memory_space<vmem>> -> memref<16x1024xf32, #tpu.memory_space<vmem>>
      %dma_wait3A_409 = arith.constant 0 : i32
      %dma_wait3A_410 = tpu.memref_slice %arg4[%add3A_403, %dma_wait3A_409] : memref<32768x1024xf32, #tpu.memory_space<hbm>> -> memref<16x1024xf32, #tpu.memory_space<hbm>>
      %dma_wait3A_411 = arith.constant 0 : i32
      %dma_wait3A_412 = tpu.memref_slice %arg4[%add3A_403, %dma_wait3A_411] : memref<32768x1024xf32, #tpu.memory_space<hbm>> -> memref<16x1024xf32, #tpu.memory_space<hbm>>
      %dma_wait3A_413 = arith.constant 0 : i32
      %dma_wait3A_414 = arith.constant 0 : i32
      %dma_wait3A_415 = tpu.memref_slice %arg6[%dma_wait3A_404, %dma_wait3A_413, %dma_wait3A_414] : memref<4x16x1024xf32, #tpu.memory_space<vmem>> -> memref<1x16x1024xf32, #tpu.memory_space<vmem>>
      %dma_wait3A_416 = tpu.memref_squeeze %dma_wait3A_415 : memref<1x16x1024xf32, #tpu.memory_space<vmem>> -> memref<16x1024xf32, #tpu.memory_space<vmem>>
      tpu.wait_dma2 semaphore(%arg13 : memref<!tpu.dma_semaphore, #tpu.memory_space<semaphore_mem>>) src(%dma_wait3A_416 : memref<16x1024xf32, #tpu.memory_space<vmem>>) dst(%dma_wait3A_412 : memref<16x1024xf32, #tpu.memory_space<hbm>>)
      %add3A_417 = arith.constant 4 : i32
      %add3A_418 = arith.addi %mul3A_208, %add3A_417 : i32
      %add3A_419 = arith.constant 2 : i32
      %add3A_420 = arith.addi %add3A_418, %add3A_419 : i32
      %mul3A_421 = arith.constant 16 : i32
      %mul3A_422 = arith.muli %add3A_420, %mul3A_421 : i32
      %dma_start3A_423 = arith.constant 2 : i32
      %dma_start3A_424 = arith.constant 0 : i32
      %dma_start3A_425 = arith.constant 0 : i32
      %dma_start3A_426 = tpu.memref_slice %arg6[%dma_start3A_423, %dma_start3A_424, %dma_start3A_425] : memref<4x16x1024xf32, #tpu.memory_space<vmem>> -> memref<1x16x1024xf32, #tpu.memory_space<vmem>>
      %dma_start3A_427 = tpu.memref_squeeze %dma_start3A_426 : memref<1x16x1024xf32, #tpu.memory_space<vmem>> -> memref<16x1024xf32, #tpu.memory_space<vmem>>
      %dma_start3A_428 = tpu.memref_slice %arg5[%mul3A_422] : memref<1024xi32, #tpu.memory_space<vmem>> -> memref<16xi32, #tpu.memory_space<vmem>>
      %dma_start3A_429 = arith.constant 0 : i32
      %dma_start3A_430 = arith.constant 0 : i32
      %dma_start3A_431 = tpu.memref_slice %arg2[%dma_start3A_429, %dma_start3A_430] : memref<8192x1024xf32, #tpu.memory_space<hbm>> -> memref<8192x1024xf32, #tpu.memory_space<hbm>>
      tpu.enqueue_indirect_dma source(%dma_start3A_431 : memref<8192x1024xf32, #tpu.memory_space<hbm>>) target(%dma_start3A_427 : memref<16x1024xf32, #tpu.memory_space<vmem>>) offsets(%dma_start3A_428 : memref<16xi32, #tpu.memory_space<vmem>>) semaphore(%arg9 : memref<!tpu.dma_semaphore, #tpu.memory_space<semaphore_mem>>)
      %add3A_432 = arith.constant 3 : i32
      %add3A_433 = arith.addi %mul3A_208, %add3A_432 : i32
      %mul3A_434 = arith.constant 16 : i32
      %mul3A_435 = arith.muli %add3A_433, %mul3A_434 : i32
      %add3A_436 = arith.addi %mul3A_2, %mul3A_435 : i32
      %dma_wait3A_437 = arith.constant 3 : i32
      %dma_wait3A_438 = arith.constant 0 : i32
      %dma_wait3A_439 = arith.constant 0 : i32
      %dma_wait3A_440 = tpu.memref_slice %arg6[%dma_wait3A_437, %dma_wait3A_438, %dma_wait3A_439] : memref<4x16x1024xf32, #tpu.memory_space<vmem>> -> memref<1x16x1024xf32, #tpu.memory_space<vmem>>
      %dma_wait3A_441 = tpu.memref_squeeze %dma_wait3A_440 : memref<1x16x1024xf32, #tpu.memory_space<vmem>> -> memref<16x1024xf32, #tpu.memory_space<vmem>>
      %dma_wait3A_442 = arith.constant 0 : i32
      %dma_wait3A_443 = tpu.memref_slice %arg4[%add3A_436, %dma_wait3A_442] : memref<32768x1024xf32, #tpu.memory_space<hbm>> -> memref<16x1024xf32, #tpu.memory_space<hbm>>
      %dma_wait3A_444 = arith.constant 0 : i32
      %dma_wait3A_445 = tpu.memref_slice %arg4[%add3A_436, %dma_wait3A_444] : memref<32768x1024xf32, #tpu.memory_space<hbm>> -> memref<16x1024xf32, #tpu.memory_space<hbm>>
      %dma_wait3A_446 = arith.constant 0 : i32
      %dma_wait3A_447 = arith.constant 0 : i32
      %dma_wait3A_448 = tpu.memref_slice %arg6[%dma_wait3A_437, %dma_wait3A_446, %dma_wait3A_447] : memref<4x16x1024xf32, #tpu.memory_space<vmem>> -> memref<1x16x1024xf32, #tpu.memory_space<vmem>>
      %dma_wait3A_449 = tpu.memref_squeeze %dma_wait3A_448 : memref<1x16x1024xf32, #tpu.memory_space<vmem>> -> memref<16x1024xf32, #tpu.memory_space<vmem>>
      tpu.wait_dma2 semaphore(%arg14 : memref<!tpu.dma_semaphore, #tpu.memory_space<semaphore_mem>>) src(%dma_wait3A_449 : memref<16x1024xf32, #tpu.memory_space<vmem>>) dst(%dma_wait3A_445 : memref<16x1024xf32, #tpu.memory_space<hbm>>)
      %add3A_450 = arith.constant 4 : i32
      %add3A_451 = arith.addi %mul3A_208, %add3A_450 : i32
      %add3A_452 = arith.constant 3 : i32
      %add3A_453 = arith.addi %add3A_451, %add3A_452 : i32
      %mul3A_454 = arith.constant 16 : i32
      %mul3A_455 = arith.muli %add3A_453, %mul3A_454 : i32
      %dma_start3A_456 = arith.constant 3 : i32
      %dma_start3A_457 = arith.constant 0 : i32
      %dma_start3A_458 = arith.constant 0 : i32
      %dma_start3A_459 = tpu.memref_slice %arg6[%dma_start3A_456, %dma_start3A_457, %dma_start3A_458] : memref<4x16x1024xf32, #tpu.memory_space<vmem>> -> memref<1x16x1024xf32, #tpu.memory_space<vmem>>
      %dma_start3A_460 = tpu.memref_squeeze %dma_start3A_459 : memref<1x16x1024xf32, #tpu.memory_space<vmem>> -> memref<16x1024xf32, #tpu.memory_space<vmem>>
      %dma_start3A_461 = tpu.memref_slice %arg5[%mul3A_455] : memref<1024xi32, #tpu.memory_space<vmem>> -> memref<16xi32, #tpu.memory_space<vmem>>
      %dma_start3A_462 = arith.constant 0 : i32
      %dma_start3A_463 = arith.constant 0 : i32
      %dma_start3A_464 = tpu.memref_slice %arg2[%dma_start3A_462, %dma_start3A_463] : memref<8192x1024xf32, #tpu.memory_space<hbm>> -> memref<8192x1024xf32, #tpu.memory_space<hbm>>
      tpu.enqueue_indirect_dma source(%dma_start3A_464 : memref<8192x1024xf32, #tpu.memory_space<hbm>>) target(%dma_start3A_460 : memref<16x1024xf32, #tpu.memory_space<vmem>>) offsets(%dma_start3A_461 : memref<16xi32, #tpu.memory_space<vmem>>) semaphore(%arg10 : memref<!tpu.dma_semaphore, #tpu.memory_space<semaphore_mem>>)
    }
    %scan3A_46 = arith.constant 15 : i32
    %dma_wait3A = arith.constant 0 : i32
    %dma_wait3A_47 = arith.constant 0 : i32
    %dma_wait3A_48 = arith.constant 0 : i32
    %dma_wait3A_49 = tpu.memref_slice %arg6[%dma_wait3A, %dma_wait3A_47, %dma_wait3A_48] : memref<4x16x1024xf32, #tpu.memory_space<vmem>> -> memref<1x16x1024xf32, #tpu.memory_space<vmem>>
    %dma_wait3A_50 = tpu.memref_squeeze %dma_wait3A_49 : memref<1x16x1024xf32, #tpu.memory_space<vmem>> -> memref<16x1024xf32, #tpu.memory_space<vmem>>
    %dma_wait3A_51 = arith.constant 960 : i32
    %dma_wait3A_52 = tpu.memref_slice %arg5[%dma_wait3A_51] : memref<1024xi32, #tpu.memory_space<vmem>> -> memref<16xi32, #tpu.memory_space<vmem>>
    %dma_wait3A_53 = arith.constant 0 : i32
    %dma_wait3A_54 = arith.constant 0 : i32
    %dma_wait3A_55 = tpu.memref_slice %arg2[%dma_wait3A_53, %dma_wait3A_54] : memref<8192x1024xf32, #tpu.memory_space<hbm>> -> memref<8192x1024xf32, #tpu.memory_space<hbm>>
    tpu.wait_indirect_dma semaphore(%arg7 : memref<!tpu.dma_semaphore, #tpu.memory_space<semaphore_mem>>) src(%dma_wait3A_55 : memref<8192x1024xf32, #tpu.memory_space<hbm>>) dst(%dma_wait3A_50 : memref<16x1024xf32, #tpu.memory_space<vmem>>)
    %add3A_56 = arith.constant 960 : i32
    %add3A_57 = arith.addi %mul3A_2, %add3A_56 : i32
    %dma_start3A_58 = arith.constant 0 : i32
    %dma_start3A_59 = arith.constant 0 : i32
    %dma_start3A_60 = arith.constant 0 : i32
    %dma_start3A_61 = tpu.memref_slice %arg6[%dma_start3A_58, %dma_start3A_59, %dma_start3A_60] : memref<4x16x1024xf32, #tpu.memory_space<vmem>> -> memref<1x16x1024xf32, #tpu.memory_space<vmem>>
    %dma_start3A_62 = tpu.memref_squeeze %dma_start3A_61 : memref<1x16x1024xf32, #tpu.memory_space<vmem>> -> memref<16x1024xf32, #tpu.memory_space<vmem>>
    %dma_start3A_63 = arith.constant 0 : i32
    %dma_start3A_64 = tpu.memref_slice %arg4[%add3A_57, %dma_start3A_63] : memref<32768x1024xf32, #tpu.memory_space<hbm>> -> memref<16x1024xf32, #tpu.memory_space<hbm>>
    %dma_start3A_65 = arith.constant 0 : i32
    %dma_start3A_66 = tpu.memref_slice %arg4[%add3A_57, %dma_start3A_65] : memref<32768x1024xf32, #tpu.memory_space<hbm>> -> memref<16x1024xf32, #tpu.memory_space<hbm>>
    %dma_start3A_67 = arith.constant 0 : i32
    %dma_start3A_68 = arith.constant 0 : i32
    %dma_start3A_69 = tpu.memref_slice %arg6[%dma_start3A_58, %dma_start3A_67, %dma_start3A_68] : memref<4x16x1024xf32, #tpu.memory_space<vmem>> -> memref<1x16x1024xf32, #tpu.memory_space<vmem>>
    %dma_start3A_70 = tpu.memref_squeeze %dma_start3A_69 : memref<1x16x1024xf32, #tpu.memory_space<vmem>> -> memref<16x1024xf32, #tpu.memory_space<vmem>>
    tpu.enqueue_dma source(%dma_start3A_70 : memref<16x1024xf32, #tpu.memory_space<vmem>>) target(%dma_start3A_66 : memref<16x1024xf32, #tpu.memory_space<hbm>>) target_semaphore(%arg11 : memref<!tpu.dma_semaphore, #tpu.memory_space<semaphore_mem>>)
    %dma_wait3A_71 = arith.constant 1 : i32
    %dma_wait3A_72 = arith.constant 0 : i32
    %dma_wait3A_73 = arith.constant 0 : i32
    %dma_wait3A_74 = tpu.memref_slice %arg6[%dma_wait3A_71, %dma_wait3A_72, %dma_wait3A_73] : memref<4x16x1024xf32, #tpu.memory_space<vmem>> -> memref<1x16x1024xf32, #tpu.memory_space<vmem>>
    %dma_wait3A_75 = tpu.memref_squeeze %dma_wait3A_74 : memref<1x16x1024xf32, #tpu.memory_space<vmem>> -> memref<16x1024xf32, #tpu.memory_space<vmem>>
    %dma_wait3A_76 = arith.constant 976 : i32
    %dma_wait3A_77 = tpu.memref_slice %arg5[%dma_wait3A_76] : memref<1024xi32, #tpu.memory_space<vmem>> -> memref<16xi32, #tpu.memory_space<vmem>>
    %dma_wait3A_78 = arith.constant 0 : i32
    %dma_wait3A_79 = arith.constant 0 : i32
    %dma_wait3A_80 = tpu.memref_slice %arg2[%dma_wait3A_78, %dma_wait3A_79] : memref<8192x1024xf32, #tpu.memory_space<hbm>> -> memref<8192x1024xf32, #tpu.memory_space<hbm>>
    tpu.wait_indirect_dma semaphore(%arg8 : memref<!tpu.dma_semaphore, #tpu.memory_space<semaphore_mem>>) src(%dma_wait3A_80 : memref<8192x1024xf32, #tpu.memory_space<hbm>>) dst(%dma_wait3A_75 : memref<16x1024xf32, #tpu.memory_space<vmem>>)
    %add3A_81 = arith.constant 976 : i32
    %add3A_82 = arith.addi %mul3A_2, %add3A_81 : i32
    %dma_start3A_83 = arith.constant 1 : i32
    %dma_start3A_84 = arith.constant 0 : i32
    %dma_start3A_85 = arith.constant 0 : i32
    %dma_start3A_86 = tpu.memref_slice %arg6[%dma_start3A_83, %dma_start3A_84, %dma_start3A_85] : memref<4x16x1024xf32, #tpu.memory_space<vmem>> -> memref<1x16x1024xf32, #tpu.memory_space<vmem>>
    %dma_start3A_87 = tpu.memref_squeeze %dma_start3A_86 : memref<1x16x1024xf32, #tpu.memory_space<vmem>> -> memref<16x1024xf32, #tpu.memory_space<vmem>>
    %dma_start3A_88 = arith.constant 0 : i32
    %dma_start3A_89 = tpu.memref_slice %arg4[%add3A_82, %dma_start3A_88] : memref<32768x1024xf32, #tpu.memory_space<hbm>> -> memref<16x1024xf32, #tpu.memory_space<hbm>>
    %dma_start3A_90 = arith.constant 0 : i32
    %dma_start3A_91 = tpu.memref_slice %arg4[%add3A_82, %dma_start3A_90] : memref<32768x1024xf32, #tpu.memory_space<hbm>> -> memref<16x1024xf32, #tpu.memory_space<hbm>>
    %dma_start3A_92 = arith.constant 0 : i32
    %dma_start3A_93 = arith.constant 0 : i32
    %dma_start3A_94 = tpu.memref_slice %arg6[%dma_start3A_83, %dma_start3A_92, %dma_start3A_93] : memref<4x16x1024xf32, #tpu.memory_space<vmem>> -> memref<1x16x1024xf32, #tpu.memory_space<vmem>>
    %dma_start3A_95 = tpu.memref_squeeze %dma_start3A_94 : memref<1x16x1024xf32, #tpu.memory_space<vmem>> -> memref<16x1024xf32, #tpu.memory_space<vmem>>
    tpu.enqueue_dma source(%dma_start3A_95 : memref<16x1024xf32, #tpu.memory_space<vmem>>) target(%dma_start3A_91 : memref<16x1024xf32, #tpu.memory_space<hbm>>) target_semaphore(%arg12 : memref<!tpu.dma_semaphore, #tpu.memory_space<semaphore_mem>>)
    %dma_wait3A_96 = arith.constant 2 : i32
    %dma_wait3A_97 = arith.constant 0 : i32
    %dma_wait3A_98 = arith.constant 0 : i32
    %dma_wait3A_99 = tpu.memref_slice %arg6[%dma_wait3A_96, %dma_wait3A_97, %dma_wait3A_98] : memref<4x16x1024xf32, #tpu.memory_space<vmem>> -> memref<1x16x1024xf32, #tpu.memory_space<vmem>>
    %dma_wait3A_100 = tpu.memref_squeeze %dma_wait3A_99 : memref<1x16x1024xf32, #tpu.memory_space<vmem>> -> memref<16x1024xf32, #tpu.memory_space<vmem>>
    %dma_wait3A_101 = arith.constant 992 : i32
    %dma_wait3A_102 = tpu.memref_slice %arg5[%dma_wait3A_101] : memref<1024xi32, #tpu.memory_space<vmem>> -> memref<16xi32, #tpu.memory_space<vmem>>
    %dma_wait3A_103 = arith.constant 0 : i32
    %dma_wait3A_104 = arith.constant 0 : i32
    %dma_wait3A_105 = tpu.memref_slice %arg2[%dma_wait3A_103, %dma_wait3A_104] : memref<8192x1024xf32, #tpu.memory_space<hbm>> -> memref<8192x1024xf32, #tpu.memory_space<hbm>>
    tpu.wait_indirect_dma semaphore(%arg9 : memref<!tpu.dma_semaphore, #tpu.memory_space<semaphore_mem>>) src(%dma_wait3A_105 : memref<8192x1024xf32, #tpu.memory_space<hbm>>) dst(%dma_wait3A_100 : memref<16x1024xf32, #tpu.memory_space<vmem>>)
    %add3A_106 = arith.constant 992 : i32
    %add3A_107 = arith.addi %mul3A_2, %add3A_106 : i32
    %dma_start3A_108 = arith.constant 2 : i32
    %dma_start3A_109 = arith.constant 0 : i32
    %dma_start3A_110 = arith.constant 0 : i32
    %dma_start3A_111 = tpu.memref_slice %arg6[%dma_start3A_108, %dma_start3A_109, %dma_start3A_110] : memref<4x16x1024xf32, #tpu.memory_space<vmem>> -> memref<1x16x1024xf32, #tpu.memory_space<vmem>>
    %dma_start3A_112 = tpu.memref_squeeze %dma_start3A_111 : memref<1x16x1024xf32, #tpu.memory_space<vmem>> -> memref<16x1024xf32, #tpu.memory_space<vmem>>
    %dma_start3A_113 = arith.constant 0 : i32
    %dma_start3A_114 = tpu.memref_slice %arg4[%add3A_107, %dma_start3A_113] : memref<32768x1024xf32, #tpu.memory_space<hbm>> -> memref<16x1024xf32, #tpu.memory_space<hbm>>
    %dma_start3A_115 = arith.constant 0 : i32
    %dma_start3A_116 = tpu.memref_slice %arg4[%add3A_107, %dma_start3A_115] : memref<32768x1024xf32, #tpu.memory_space<hbm>> -> memref<16x1024xf32, #tpu.memory_space<hbm>>
    %dma_start3A_117 = arith.constant 0 : i32
    %dma_start3A_118 = arith.constant 0 : i32
    %dma_start3A_119 = tpu.memref_slice %arg6[%dma_start3A_108, %dma_start3A_117, %dma_start3A_118] : memref<4x16x1024xf32, #tpu.memory_space<vmem>> -> memref<1x16x1024xf32, #tpu.memory_space<vmem>>
    %dma_start3A_120 = tpu.memref_squeeze %dma_start3A_119 : memref<1x16x1024xf32, #tpu.memory_space<vmem>> -> memref<16x1024xf32, #tpu.memory_space<vmem>>
    tpu.enqueue_dma source(%dma_start3A_120 : memref<16x1024xf32, #tpu.memory_space<vmem>>) target(%dma_start3A_116 : memref<16x1024xf32, #tpu.memory_space<hbm>>) target_semaphore(%arg13 : memref<!tpu.dma_semaphore, #tpu.memory_space<semaphore_mem>>)
    %dma_wait3A_121 = arith.constant 3 : i32
    %dma_wait3A_122 = arith.constant 0 : i32
    %dma_wait3A_123 = arith.constant 0 : i32
    %dma_wait3A_124 = tpu.memref_slice %arg6[%dma_wait3A_121, %dma_wait3A_122, %dma_wait3A_123] : memref<4x16x1024xf32, #tpu.memory_space<vmem>> -> memref<1x16x1024xf32, #tpu.memory_space<vmem>>
    %dma_wait3A_125 = tpu.memref_squeeze %dma_wait3A_124 : memref<1x16x1024xf32, #tpu.memory_space<vmem>> -> memref<16x1024xf32, #tpu.memory_space<vmem>>
    %dma_wait3A_126 = arith.constant 1008 : i32
    %dma_wait3A_127 = tpu.memref_slice %arg5[%dma_wait3A_126] : memref<1024xi32, #tpu.memory_space<vmem>> -> memref<16xi32, #tpu.memory_space<vmem>>
    %dma_wait3A_128 = arith.constant 0 : i32
    %dma_wait3A_129 = arith.constant 0 : i32
    %dma_wait3A_130 = tpu.memref_slice %arg2[%dma_wait3A_128, %dma_wait3A_129] : memref<8192x1024xf32, #tpu.memory_space<hbm>> -> memref<8192x1024xf32, #tpu.memory_space<hbm>>
    tpu.wait_indirect_dma semaphore(%arg10 : memref<!tpu.dma_semaphore, #tpu.memory_space<semaphore_mem>>) src(%dma_wait3A_130 : memref<8192x1024xf32, #tpu.memory_space<hbm>>) dst(%dma_wait3A_125 : memref<16x1024xf32, #tpu.memory_space<vmem>>)
    %add3A_131 = arith.constant 1008 : i32
    %add3A_132 = arith.addi %mul3A_2, %add3A_131 : i32
    %dma_start3A_133 = arith.constant 3 : i32
    %dma_start3A_134 = arith.constant 0 : i32
    %dma_start3A_135 = arith.constant 0 : i32
    %dma_start3A_136 = tpu.memref_slice %arg6[%dma_start3A_133, %dma_start3A_134, %dma_start3A_135] : memref<4x16x1024xf32, #tpu.memory_space<vmem>> -> memref<1x16x1024xf32, #tpu.memory_space<vmem>>
    %dma_start3A_137 = tpu.memref_squeeze %dma_start3A_136 : memref<1x16x1024xf32, #tpu.memory_space<vmem>> -> memref<16x1024xf32, #tpu.memory_space<vmem>>
    %dma_start3A_138 = arith.constant 0 : i32
    %dma_start3A_139 = tpu.memref_slice %arg4[%add3A_132, %dma_start3A_138] : memref<32768x1024xf32, #tpu.memory_space<hbm>> -> memref<16x1024xf32, #tpu.memory_space<hbm>>
    %dma_start3A_140 = arith.constant 0 : i32
    %dma_start3A_141 = tpu.memref_slice %arg4[%add3A_132, %dma_start3A_140] : memref<32768x1024xf32, #tpu.memory_space<hbm>> -> memref<16x1024xf32, #tpu.memory_space<hbm>>
    %dma_start3A_142 = arith.constant 0 : i32
    %dma_start3A_143 = arith.constant 0 : i32
    %dma_start3A_144 = tpu.memref_slice %arg6[%dma_start3A_133, %dma_start3A_142, %dma_start3A_143] : memref<4x16x1024xf32, #tpu.memory_space<vmem>> -> memref<1x16x1024xf32, #tpu.memory_space<vmem>>
    %dma_start3A_145 = tpu.memref_squeeze %dma_start3A_144 : memref<1x16x1024xf32, #tpu.memory_space<vmem>> -> memref<16x1024xf32, #tpu.memory_space<vmem>>
    tpu.enqueue_dma source(%dma_start3A_145 : memref<16x1024xf32, #tpu.memory_space<vmem>>) target(%dma_start3A_141 : memref<16x1024xf32, #tpu.memory_space<hbm>>) target_semaphore(%arg14 : memref<!tpu.dma_semaphore, #tpu.memory_space<semaphore_mem>>)
    %add3A_146 = arith.constant 960 : i32
    %add3A_147 = arith.addi %mul3A_2, %add3A_146 : i32
    %dma_wait3A_148 = arith.constant 0 : i32
    %dma_wait3A_149 = arith.constant 0 : i32
    %dma_wait3A_150 = arith.constant 0 : i32
    %dma_wait3A_151 = tpu.memref_slice %arg6[%dma_wait3A_148, %dma_wait3A_149, %dma_wait3A_150] : memref<4x16x1024xf32, #tpu.memory_space<vmem>> -> memref<1x16x1024xf32, #tpu.memory_space<vmem>>
    %dma_wait3A_152 = tpu.memref_squeeze %dma_wait3A_151 : memref<1x16x1024xf32, #tpu.memory_space<vmem>> -> memref<16x1024xf32, #tpu.memory_space<vmem>>
    %dma_wait3A_153 = arith.constant 0 : i32
    %dma_wait3A_154 = tpu.memref_slice %arg4[%add3A_147, %dma_wait3A_153] : memref<32768x1024xf32, #tpu.memory_space<hbm>> -> memref<16x1024xf32, #tpu.memory_space<hbm>>
    %dma_wait3A_155 = arith.constant 0 : i32
    %dma_wait3A_156 = tpu.memref_slice %arg4[%add3A_147, %dma_wait3A_155] : memref<32768x1024xf32, #tpu.memory_space<hbm>> -> memref<16x1024xf32, #tpu.memory_space<hbm>>
    %dma_wait3A_157 = arith.constant 0 : i32
    %dma_wait3A_158 = arith.constant 0 : i32
    %dma_wait3A_159 = tpu.memref_slice %arg6[%dma_wait3A_148, %dma_wait3A_157, %dma_wait3A_158] : memref<4x16x1024xf32, #tpu.memory_space<vmem>> -> memref<1x16x1024xf32, #tpu.memory_space<vmem>>
    %dma_wait3A_160 = tpu.memref_squeeze %dma_wait3A_159 : memref<1x16x1024xf32, #tpu.memory_space<vmem>> -> memref<16x1024xf32, #tpu.memory_space<vmem>>
    tpu.wait_dma2 semaphore(%arg11 : memref<!tpu.dma_semaphore, #tpu.memory_space<semaphore_mem>>) src(%dma_wait3A_160 : memref<16x1024xf32, #tpu.memory_space<vmem>>) dst(%dma_wait3A_156 : memref<16x1024xf32, #tpu.memory_space<hbm>>)
    %add3A_161 = arith.constant 976 : i32
    %add3A_162 = arith.addi %mul3A_2, %add3A_161 : i32
    %dma_wait3A_163 = arith.constant 1 : i32
    %dma_wait3A_164 = arith.constant 0 : i32
    %dma_wait3A_165 = arith.constant 0 : i32
    %dma_wait3A_166 = tpu.memref_slice %arg6[%dma_wait3A_163, %dma_wait3A_164, %dma_wait3A_165] : memref<4x16x1024xf32, #tpu.memory_space<vmem>> -> memref<1x16x1024xf32, #tpu.memory_space<vmem>>
    %dma_wait3A_167 = tpu.memref_squeeze %dma_wait3A_166 : memref<1x16x1024xf32, #tpu.memory_space<vmem>> -> memref<16x1024xf32, #tpu.memory_space<vmem>>
    %dma_wait3A_168 = arith.constant 0 : i32
    %dma_wait3A_169 = tpu.memref_slice %arg4[%add3A_162, %dma_wait3A_168] : memref<32768x1024xf32, #tpu.memory_space<hbm>> -> memref<16x1024xf32, #tpu.memory_space<hbm>>
    %dma_wait3A_170 = arith.constant 0 : i32
    %dma_wait3A_171 = tpu.memref_slice %arg4[%add3A_162, %dma_wait3A_170] : memref<32768x1024xf32, #tpu.memory_space<hbm>> -> memref<16x1024xf32, #tpu.memory_space<hbm>>
    %dma_wait3A_172 = arith.constant 0 : i32
    %dma_wait3A_173 = arith.constant 0 : i32
    %dma_wait3A_174 = tpu.memref_slice %arg6[%dma_wait3A_163, %dma_wait3A_172, %dma_wait3A_173] : memref<4x16x1024xf32, #tpu.memory_space<vmem>> -> memref<1x16x1024xf32, #tpu.memory_space<vmem>>
    %dma_wait3A_175 = tpu.memref_squeeze %dma_wait3A_174 : memref<1x16x1024xf32, #tpu.memory_space<vmem>> -> memref<16x1024xf32, #tpu.memory_space<vmem>>
    tpu.wait_dma2 semaphore(%arg12 : memref<!tpu.dma_semaphore, #tpu.memory_space<semaphore_mem>>) src(%dma_wait3A_175 : memref<16x1024xf32, #tpu.memory_space<vmem>>) dst(%dma_wait3A_171 : memref<16x1024xf32, #tpu.memory_space<hbm>>)
    %add3A_176 = arith.constant 992 : i32
    %add3A_177 = arith.addi %mul3A_2, %add3A_176 : i32
    %dma_wait3A_178 = arith.constant 2 : i32
    %dma_wait3A_179 = arith.constant 0 : i32
    %dma_wait3A_180 = arith.constant 0 : i32
    %dma_wait3A_181 = tpu.memref_slice %arg6[%dma_wait3A_178, %dma_wait3A_179, %dma_wait3A_180] : memref<4x16x1024xf32, #tpu.memory_space<vmem>> -> memref<1x16x1024xf32, #tpu.memory_space<vmem>>
    %dma_wait3A_182 = tpu.memref_squeeze %dma_wait3A_181 : memref<1x16x1024xf32, #tpu.memory_space<vmem>> -> memref<16x1024xf32, #tpu.memory_space<vmem>>
    %dma_wait3A_183 = arith.constant 0 : i32
    %dma_wait3A_184 = tpu.memref_slice %arg4[%add3A_177, %dma_wait3A_183] : memref<32768x1024xf32, #tpu.memory_space<hbm>> -> memref<16x1024xf32, #tpu.memory_space<hbm>>
    %dma_wait3A_185 = arith.constant 0 : i32
    %dma_wait3A_186 = tpu.memref_slice %arg4[%add3A_177, %dma_wait3A_185] : memref<32768x1024xf32, #tpu.memory_space<hbm>> -> memref<16x1024xf32, #tpu.memory_space<hbm>>
    %dma_wait3A_187 = arith.constant 0 : i32
    %dma_wait3A_188 = arith.constant 0 : i32
    %dma_wait3A_189 = tpu.memref_slice %arg6[%dma_wait3A_178, %dma_wait3A_187, %dma_wait3A_188] : memref<4x16x1024xf32, #tpu.memory_space<vmem>> -> memref<1x16x1024xf32, #tpu.memory_space<vmem>>
    %dma_wait3A_190 = tpu.memref_squeeze %dma_wait3A_189 : memref<1x16x1024xf32, #tpu.memory_space<vmem>> -> memref<16x1024xf32, #tpu.memory_space<vmem>>
    tpu.wait_dma2 semaphore(%arg13 : memref<!tpu.dma_semaphore, #tpu.memory_space<semaphore_mem>>) src(%dma_wait3A_190 : memref<16x1024xf32, #tpu.memory_space<vmem>>) dst(%dma_wait3A_186 : memref<16x1024xf32, #tpu.memory_space<hbm>>)
    %add3A_191 = arith.constant 1008 : i32
    %add3A_192 = arith.addi %mul3A_2, %add3A_191 : i32
    %dma_wait3A_193 = arith.constant 3 : i32
    %dma_wait3A_194 = arith.constant 0 : i32
    %dma_wait3A_195 = arith.constant 0 : i32
    %dma_wait3A_196 = tpu.memref_slice %arg6[%dma_wait3A_193, %dma_wait3A_194, %dma_wait3A_195] : memref<4x16x1024xf32, #tpu.memory_space<vmem>> -> memref<1x16x1024xf32, #tpu.memory_space<vmem>>
    %dma_wait3A_197 = tpu.memref_squeeze %dma_wait3A_196 : memref<1x16x1024xf32, #tpu.memory_space<vmem>> -> memref<16x1024xf32, #tpu.memory_space<vmem>>
    %dma_wait3A_198 = arith.constant 0 : i32
    %dma_wait3A_199 = tpu.memref_slice %arg4[%add3A_192, %dma_wait3A_198] : memref<32768x1024xf32, #tpu.memory_space<hbm>> -> memref<16x1024xf32, #tpu.memory_space<hbm>>
    %dma_wait3A_200 = arith.constant 0 : i32
    %dma_wait3A_201 = tpu.memref_slice %arg4[%add3A_192, %dma_wait3A_200] : memref<32768x1024xf32, #tpu.memory_space<hbm>> -> memref<16x1024xf32, #tpu.memory_space<hbm>>
    %dma_wait3A_202 = arith.constant 0 : i32
    %dma_wait3A_203 = arith.constant 0 : i32
    %dma_wait3A_204 = tpu.memref_slice %arg6[%dma_wait3A_193, %dma_wait3A_202, %dma_wait3A_203] : memref<4x16x1024xf32, #tpu.memory_space<vmem>> -> memref<1x16x1024xf32, #tpu.memory_space<vmem>>
    %dma_wait3A_205 = tpu.memref_squeeze %dma_wait3A_204 : memref<1x16x1024xf32, #tpu.memory_space<vmem>> -> memref<16x1024xf32, #tpu.memory_space<vmem>>
    tpu.wait_dma2 semaphore(%arg14 : memref<!tpu.dma_semaphore, #tpu.memory_space<semaphore_mem>>) src(%dma_wait3A_205 : memref<16x1024xf32, #tpu.memory_space<vmem>>) dst(%dma_wait3A_201 : memref<16x1024xf32, #tpu.memory_space<hbm>>)
    return
  }
}

</mosaic_0001>

<sc_bundles>
// kernel: kernel.3.cloned.1.call-start
scs
__scs_entry_jumppad:
0x0: {  	(pc) =	sbr.rel $0x88, $3  }
0x1: {  	(tag) =	ssettag $0x0;
	lr =	simm.s32 $0x1  }
0x2: {  	[smem:$0x3F9F] =	sst lr;
	_ =	strace $0xD0000000  }
0x3: {  	_ = 	snop  }
0x4: {  	_ = 	snop  }
0x5: {  	_ = 	snop  }
0x6: {  	_ = 	snop  }
0x7: {  	_ = 	snop  }
__scs_overlays_trampoline_lowered:
0x8: {  	[smem:$0x3FAE] =	sst s0  }
0x9: {  	[smem:$0x3FAF] =	sst s1  }
0xa: {  	[smem:$0x3FB0] =	sst s2  }
0xb: {  	[smem:$0x3FB1] =	sst s3  }
0xc: {  	[smem:$0x3FB2] =	sst s4  }
0xd: {  	[smem:$0x3FB3] =	sst s5  }
0xe: {  	[smem:$0x3FB4] =	sst s6  }
0xf: {  	[smem:$0x3FB5] =	sst s7  }
0x10: {  	[smem:$0x3FB6] =	sst s8  }
0x11: {  	[smem:$0x3FB7] =	sst s9;
	s0 =	simm.s32 @!p0 $0x0  }
0x12: {  	s1 =	sld [smem:$0x3F9D];
	s0 =	simm.s32 @p0 $0x1  }
0x13: {  	[smem:$0x3FB8] =	sst s0;
	s0 =	simm.s32 @!p1 $0x0  }
0x14: {  	s2 =	sld [smem:$0x3F9C];
	s0 =	simm.s32 @p1 $0x1  }
0x15: {  	[smem:$0x3FB9] =	sst s0;
	s0 =	simm.s32 @!p2 $0x0  }
0x16: {  	s3 =	sld [smem:$0x3FDB];
	s0 =	simm.s32 @p2 $0x1  }
0x17: {  	s4 =	simm.s32 $0x1BF5;
	[smem:$0x3FBB] =	sst s0  }
0x18: {  	s0 =	sld [smem:$0x3F9E];
	_ =	swait.ge [sflag:s4], $0x0  }
0x19: {  	s7 =	sld [smem:$0x3F9F]  }
0x1a: {  	s8 =	sadd.s32 $0xFFFFE003, lr  }
0x1b: {  	s9 =	sadd.s32 $0xFFFFFEF7, lr;
	s5 =	simm.s32 $0xFFFFFFFF;
	p2 =	slt.u32 s8, $0xFFFFF086  }
0x1c: {  	p1 =	slt.u32 s9, $0xF7A;
	s5 =	simm.s32 @!p2 $0x0  }
0x1d: {  	s5 =	simm.s32 @p1 $0x1;
	p0 =	seq.s32 s7, s2  }
0x1e: {  	s7 =	smul.u32 @!p0 $0xF7A, s2;
	p2 =	seq.s32 @!p0 s5, $0x0  }
0x1f: {  	s9 =	smul.u32 $0xF7A, s1;
	s8 =	simm.s32 @!p0 $0x1BF5;
	p2 =	por !p2, p0  }
0x20: {  	[sflag:s8] =	ssyncset.s32 @!p0 $0xFFFFF086;
	s6 =	sadd.s32 @!p0 s3, s7;
	s7 =	simm.s32 @!p0 $0x108  }
0x21: {  	s3 =	sadd.s32 s3, s9;
	s6 =	sadd.s32 @!p0 $0x88, s6;
	s7 =	simm.s32 @p2 $0x1082  }
0x22: {  	[simem:s7], [sflag:s8] =	dma.local @!p0 [hbm:s6], $0xF7A  }
0x23: {  	s9 =	sor.u32 $0xD0000000, s2;
	s6 =	simm.s32 $0x108;
	_ =	swait.ge @!p0 [sflag:s8], $0x0  }
0x24: {  	s3 =	sadd.s32 $0x88, s3;
	s6 =	simm.s32 @!p1 $0x1082;
	[sflag:s4] =	ssyncset.s32 $0xFFFFF086  }
0x25: {  	[simem:s6], [sflag:s4] =	dma.local [hbm:s3], $0xF7A  }
0x26: {  	[smem:$0x3F9F] =	sst s1;
	(tag) =	ssettag s2;
	_ =	strace s9  }
0x27: {  	s1 =	sld [smem:$0x3FAF]  }
0x28: {  	s2 =	sld [smem:$0x3FB0]  }
0x29: {  	s4 =	sld [smem:$0x3FB2]  }
0x2a: {  	p0 =	seq.s32 s5, $0x0;
	s5 =	sld [smem:$0x3FB3]  }
0x2b: {  	s6 =	sld [smem:$0x3FB4]  }
0x2c: {  	s7 =	sld [smem:$0x3FB5]  }
0x2d: {  	s3 =	simm.s32 $0x108;
	s8 =	sld [smem:$0x3FB6]  }
0x2e: {  	s3 =	simm.s32 @!p0 $0x1082;
	s9 =	sld [smem:$0x3FB7]  }
0x2f: {  	lr =	sadd.s32 s0, s3;
	s0 =	sld [smem:$0x3FAE]  }
0x30: {  	s3 =	sld [smem:$0x3FB1]  }
0x31: {  	[smem:$0x3FBA] =	sst s10  }
0x32: {  	s10 =	sld [smem:$0x3FB8];
	_ =	sdelay $0x3  }
0x33: {  	p0 =	seq.s32 s10, $0x1;
	s10 =	sld [smem:$0x3FBA];
	_ =	sdelay $0x3  }
0x34: {  	[smem:$0x3FBA] =	sst s10  }
0x35: {  	s10 =	sld [smem:$0x3FB9];
	_ =	sdelay $0x3  }
0x36: {  	p1 =	seq.s32 s10, $0x1;
	s10 =	sld [smem:$0x3FBA];
	_ =	sdelay $0x3  }
0x37: {  	[smem:$0x3FBA] =	sst s10  }
0x38: {  	s10 =	sld [smem:$0x3FBB]  }
0x39: {  	_ = 	snop;
	(pc) =	sbr.ind lr, $3  }
0x3a: {  	_ = 	snop  }
0x3b: {  	_ = 	snop  }
0x3c: {  	p2 =	seq.s32 s10, $0x1;
	s10 =	sld [smem:$0x3FBA]  }
0x3d: {  	_ =	shalt  }
0x3e: {  	_ =	shalt  }
0x3f: {  	_ =	shalt  }
0x40: {  	_ =	shalt  }
0x41: {  	_ =	shalt  }
0x42: {  	_ =	shalt  }
0x43: {  	_ =	shalt  }
0x44: {  	_ =	shalt  }
0x45: {  	_ =	shalt  }
0x46: {  	_ =	shalt  }
0x47: {  	_ =	shalt  }
0x48: {  	_ =	shalt  }
0x49: {  	_ =	shalt  }
0x4a: {  	_ =	shalt  }
0x4b: {  	_ =	shalt  }
0x4c: {  	_ =	shalt  }
0x4d: {  	_ =	shalt  }
0x4e: {  	_ =	shalt  }
0x4f: {  	_ =	shalt  }
0x50: {  	_ =	shalt  }
0x51: {  	_ =	shalt  }
0x52: {  	_ =	shalt  }
0x53: {  	_ =	shalt  }
0x54: {  	_ =	shalt  }
0x55: {  	_ =	shalt  }
0x56: {  	_ =	shalt  }
0x57: {  	_ =	shalt  }
0x58: {  	_ =	shalt  }
0x59: {  	_ =	shalt  }
0x5a: {  	_ =	shalt  }
0x5b: {  	_ =	shalt  }
0x5c: {  	_ =	shalt  }
0x5d: {  	_ =	shalt  }
0x5e: {  	_ =	shalt  }
0x5f: {  	_ =	shalt  }
0x60: {  	_ =	shalt  }
0x61: {  	_ =	shalt  }
0x62: {  	_ =	shalt  }
0x63: {  	_ =	shalt  }
0x64: {  	_ =	shalt  }
0x65: {  	_ =	shalt  }
0x66: {  	_ =	shalt  }
0x67: {  	_ =	shalt  }
0x68: {  	_ =	shalt  }
0x69: {  	_ =	shalt  }
0x6a: {  	_ =	shalt  }
0x6b: {  	_ =	shalt  }
0x6c: {  	_ =	shalt  }
0x6d: {  	_ =	shalt  }
0x6e: {  	_ =	shalt  }
0x6f: {  	_ =	shalt  }
0x70: {  	_ =	shalt  }
0x71: {  	_ =	shalt  }
0x72: {  	_ =	shalt  }
0x73: {  	_ =	shalt  }
0x74: {  	_ =	shalt  }
0x75: {  	_ =	shalt  }
0x76: {  	_ =	shalt  }
0x77: {  	_ =	shalt  }
0x78: {  	_ =	shalt  }
0x79: {  	_ =	shalt  }
0x7a: {  	_ =	shalt  }
0x7b: {  	_ =	shalt  }
0x7c: {  	_ =	shalt  }
0x7d: {  	_ =	shalt  }
0x7e: {  	_ =	shalt  }
0x7f: {  	_ =	shalt  }
0x80: {  	_ =	shalt  }
0x81: {  	_ =	shalt  }
0x82: {  	_ =	shalt  }
0x83: {  	_ =	shalt  }
0x84: {  	_ =	shalt  }
0x85: {  	_ =	shalt  }
0x86: {  	_ =	shalt  }
0x87: {  	_ =	shalt  }
.Lfunc_end0:
.L_simem_size_0:
called_computation_lowered:
.L_overlay_start_0:
0x88: {  	s2 =	sld [smem:$0x3FD9]  }
0x89: {  	s3 =	sld [smem:$0x3FFE];
	_ =	sdelay $0x1  }
0x8a: {  	s1 =	srdreg.scid  }
0x8b: {  	s0 =	sand.u32 $0x1, s1  }
0x8c: {  	s17 =	sshll.u32 s0, $0xA;
	s2 =	sadd.s32 s3, s2  }
0x8d: {  	s2 =	sadd.s32 s2, s17  }
0x8e: {  	[smem:$0x3FC6] =	sst s2  }
0x8f: {  	_ = 	snop  }
0x90: {  	s2 =	sld [smem:$0x3FC9]  }
0x91: {  	s18 =	sld [smem:$0x3FD0];
	(tm) =	ssettm $0x1  }
0x92: {  	s4 =	sld [smem:$0x3FFB];
	_ =	sdelay $0x3  }
0x93: {  	_ =	strace s4  }
0x94: {  	s4 =	sld [smem:$0x3FFC];
	_ =	sdelay $0x3  }
0x95: {  	_ =	strace s4  }
0x96: {  	s4 =	sld [smem:$0x3FFD];
	_ =	sdelay $0x3  }
0x97: {  	_ =	strace s4  }
0x98: {  	_ =	strace $0x8FFFFFFF  }
0x99: {  	s19 =	sld [smem:$0x3FDB];
	_ =	sdelay $0x1  }
0x9a: {  	s5 =	simm.s32 $_scs_section_size  }
0x9b: {  	s6 =	simm.s32 $_size__tile_overlayer_lowered;
	s7 =	simm.s32 $_tile_overlayer_lowered  }
0x9c: {  	s22 =	simm.s32 $0x1BFF;
	s21 =	sshll.u32 s7, $0x1;
	s4 =	sadd.s32 s5, s19  }
0x9d: {  	s8 =	simm.s32 $0x0;
	s20 =	sshll.u32 s6, $0x1;
	s6 =	sadd.s32 s21, s4  }
0x9e: {  	[timem:s8], [sflag:s22] =	dma.local [hbm:s6], s20  }
0x9f: {  	_ =	swait.ge [sflag:s22], s20  }
0xa0: {  	s5 =	ssub.s32 $0x0, s20;
	[sflag:s22] =	ssyncset.done $0x0  }
0xa1: {  	[sflag:s22] =	ssyncadd.s32 s5;
	_ =	sdelay $0x1  }
0xa2: {  	s23 =	simm.s32 $0x1B8B  }
0xa3: {  	_ =	swait.ge [sflag:s23], $0x1  }
0xa4: {  	[sflag:s23] =	ssyncset.done $0x0  }
0xa5: {  	s25 =	simm.s32 $0x1B8E;
	s24 =	sld [smem:$0x3FFE];
	[sflag:s23] =	ssyncadd.s32 $0xFFFFFFFF  }
0xa6: {  	s26 =	simm.s32 $execute0_lowered;
	[smem:$0x3FD2] =	sst s25  }
0xa7: {  	s6 =	sshll.u32 s26, $0x1;
	_ =	strace $0x80000046;
	[dreg:$0x1] =	wrdreg $0xFFFFFFFF  }
0xa8: {  	s28 =	simm.s32 $_size_execute0_lowered;
	s4 =	sadd.s32 s4, s6;
	[dreg:$0x0] =	wrdreg $0x0  }
0xa9: {  	s6 =	sshll.u32 s28, $0x1;
	[dreg:$0x2] =	wrdreg s4  }
0xaa: {  	[dreg:$0x3] =	wrdreg s6  }
0xab: {  	[dreg:$0x4] =	wrdreg $0xC0  }
0xac: {  	_ =	task [dreg:s8], $0x5FFFF  }
0xad: {  	[dreg:$0x1] =	wrdreg $0xFFFFFFFF  }
0xae: {  	[dreg:$0x0] =	wrdreg $0x60  }
0xaf: {  	[dreg:$0x2] =	wrdreg s2  }
0xb0: {  	[dreg:$0x3] =	wrdreg s24  }
0xb1: {  	[dreg:$0x4] =	wrdreg s18  }
0xb2: {  	[dreg:$0x5] =	wrdreg $0x9  }
0xb3: {  	_ =	task.clear_ibuf [dreg:s8], $0x6FFFF;
	_ =	strace $0x90000046  }
0xb4: {  	s29 =	simm.s32 $0x9;
	_ =	strace $0x80000048  }
0xb5: {  	_ =	swait.ge [sflag:s29], $0x1  }
0xb6: {  	[sflag:s29] =	ssyncadd.s32 $0xFFFFFFFF  }
0xb7: {  	_ =	strace $0x90000048  }
0xb8: {  	_ =	sfence  }
0xb9: {  	s30 =	sld [smem:$0x0];
	_ =	sdelay $0x2  }
0xba: {  	s31 =	sshll.u32 s1, $0xD;
	s1 =	sshrl.u32 s1, $0x2  }
0xbb: {  	s3 =	sand.u32 $0x4000, s31;
	s1 =	sadd.s32 s1, s30  }
0xbc: {  	s0 =	sor.u32 s3, s0;
	s1 =	sshll.u32 s1, $0x11  }
0xbd: {  	s0 =	sor.u32 s1, s0  }
0xbe: {  	s0 =	sadd.s32 $0x8F2B, s0  }
0xbf: {  	[sflag:s0] =	ssyncadd.remote.s32 $0x1  }
0xc0: {  	_ =	sfence.sel $0xFFFF  }
0xc1: {  	[dreg:$0x0] =	wrdreg $0xFFFFFFFF;
	(pc) =	sbr.abs _section_cstart, $3  }
0xc2: {  	[dreg:$0x1] =	wrdreg $0xFFFFFFFF  }
0xc3: {  	_ =	task.clear_ibuf [dreg:s8], $0x2FFFF;
	_ =	strace $0x9FFFFFFF  }
0xc4: {  	(tm) =	ssettm $0x7FFFFFFF  }
0xc5: {  	_ =	shalt  }
tec
execute0_lowered:
.L_overlay_start_1:
0x0: {  	(tag) =	ssettag $0x1  }
0x1: {  	s1 =	rddreg [dreg:$0x0]  }
0x2: {  	s0 =	srdreg.scid;
	s2 =	rddreg [dreg:$0x1]  }
0x3: {  	s9 =	stileid.u32;
	s4 =	rddreg [dreg:$0x2];
	s20 =	simm.s32 $0x2C00  }
0x4: {  	s11 =	simm.s32 $0x3400;
	s13 =	simm.s32 $0x3C00;
	s31 =	simm.s32 $0x4400  }
0x5: {  	s15 =	simm.s32 $0x4C00;
	s16 =	simm.s32 $0x5400;
	s17 =	simm.s32 $0x5C00  }
0x6: {  	s18 =	simm.s32 $0x6400;
	s19 =	simm.s32 $0x6C00;
	s14 =	simm.s32 $0x7400  }
0x7: {  	s12 =	simm.s32 $0xC400;
	s21 =	simm.s32 $0x1;
	s28 =	simm.s32 $0x6  }
0x8: {  	s29 =	simm.s32 $0x7;
	s30 =	simm.s32 $0x8;
	s0 =	sand.u32 $0x1, s0  }
0x9: {  	s3 =	sshll.u32 s9, $0xB;
	s9 =	sshll.u32 s9, $0x12;
	s5 =	sshll.u32 s0, $0xA  }
0xa: {  	s6 =	ssub.s32 $0x2, s0;
	s0 =	sshll.u32 s0, $0x11;
	s7 =	sor.u32 s5, s3  }
0xb: {  	s3 =	simm.s32 $0x0;
	s22 =	sshrl.u32 s6, $0x1;
	s5 =	sshrl.u32 s7, $0x3  }
0xc: {  	[smem:$0x7FF] =	sst s3;
	s8 =	ssub.s32 s6, s22;
	s6 =	sadd.s32 $0x200, s1  }
0xd: {  	s23 =	sshll.u32 s7, $0x7;
	s7 =	sadd.s32 $0x300, s1;
	s2 =	sadd.s32 s5, s2  }
0xe: {  	s22 =	simm.s32 $0x400;
	_ =	strace $0x80000047;
	s2 =	sadd.s32 $0x400, s2  }
0xf: {  	s26 =	smax.u32 s8, $0x1;
	[dreg:$0x5] =	wrdreg s2;
	s2 =	sadd.s32 s23, s4  }
0x10: {  	s5 =	sadd.s32 $0x100, s1;
	[dreg:$0xa] =	wrdreg s26;
	s10 =	sadd.s32 $0x1E000, s2  }
0x11: {  	s8 =	simm.s32 $0x1400;
	s24 =	sadd.s32 $0x1E800, s2;
	[dreg:$0x6] =	wrdreg s10  }
0x12: {  	s26 =	simm.s32 $0x5;
	s25 =	sadd.s32 $0x1F000, s2;
	[dreg:$0x7] =	wrdreg s24  }
0x13: {  	s4 =	sadd.s32 s9, s4;
	s2 =	sadd.s32 $0x1F800, s2;
	[dreg:$0x8] =	wrdreg s25  }
0x14: {  	s9 =	simm.s32 $0x2400;
	s0 =	sadd.s32 s0, s4;
	[dreg:$0x9] =	wrdreg s2  }
0x15: {  	v2 =	vlaneseq.u32;
	s23 =	simm.s32 $0x2;
	s4 =	simm.s32 $0xC00;
	[dreg:$0x4] =	wrdreg s0  }
0x16: {  	vm0 =	vmmov $0xffff;
	v1 =	vshrl.u32 v2, $0x3;
	s2 =	simm.s32 $0x1C00;
	s10 =	simm.s32 $0x8400;
	s0 =	simm.s32 $0x0  }
0x17: {  	v0 =	vand.u32 $0x7, v2;
	v2 =	vor.u32 $0x8, v2;
	v1 =	vmul.u32 $0x8, v1;
	s24 =	simm.s32 $0x3;
	s25 =	simm.s32 $0x4;
	[dreg:$0xb] =	wrdreg s0  }
.LBB2_1:
0x18: {  	s0 =	rddreg [dreg:$0x5]  }
0x19: {  	[tilespmem:s3], [sflag:$0x9] =	stream.linear.gather [hbm4b:s0+s3], $0x400, $0x38;
	[tilespmem:$0x10400] =	vst v63  }
0x1a: {  	s0 =	simm.s32 $0x9  }
0x1b: {  	_ =	swait.ge [sflag:s0], $0x400  }
0x1c: {  	[sflag:s0] =	ssyncset.done $0x0  }
0x1d: {  	[sflag:s0] =	ssyncadd.s32 $0xFFFFFC00  }
0x1e: {  	v3 =	vld [tilespmem:$0x0];
	_ =	sdelay $0x4  }
0x1f: {  	v4 =	vshll.u32 v3, $0x3  }
0x20: {  	v3 =	vand.u32 $0x7, v3;
	v4 =	vand.u32 $0xFFFFFFC0, v4  }
0x21: {  	v3 =	vor.u32 v3, v4  }
0x22: {  	v4 =	vperm.xlane v3, v0;
	_ =	sdelay $0x1  }
0x23: {  	v4 =	vadd.s32 v1, v4;
	_ =	sdelay $0x4  }
0x24: {  	[tilespmem:s22], [sflag:$0x1] =	stream.indirect_vreg.gather [hbm4b:s1+s3], $0x80, v4, vm0, $0xb8;
	[tilespmem:$0x10400] =	vst v63  }
0x25: {  	v3 =	vperm.xlane v3, v2  }
0x26: {  	[tilespmem:s4], [sflag:$0x1] =	stream.indirect_vreg.gather [hbm4b:s5+s3], $0x80, v4, vm0, $0xb8;
	[tilespmem:$0x10400] =	vst v63  }
0x27: {  	v3 =	vadd.s32 v1, v3  }
0x28: {  	[tilespmem:s8], [sflag:$0x1] =	stream.indirect_vreg.gather [hbm4b:s6+s3], $0x80, v4, vm0, $0xb8;
	[tilespmem:$0x10400] =	vst v63  }
0x29: {  	_ = 	snop  }
0x2a: {  	[tilespmem:s2], [sflag:$0x1] =	stream.indirect_vreg.gather [hbm4b:s7+s3], $0x80, v4, vm0, $0xb8;
	[tilespmem:$0x10400] =	vst v63  }
0x2b: {  	_ = 	snop  }
0x2c: {  	[tilespmem:s9], [sflag:$0x1] =	stream.indirect_vreg.gather [hbm4b:s1+s3], $0x80, v3, vm0, $0xb8;
	[tilespmem:$0x10400] =	vst v63  }
0x2d: {  	_ = 	snop  }
0x2e: {  	[tilespmem:s20], [sflag:$0x1] =	stream.indirect_vreg.gather [hbm4b:s5+s3], $0x80, v3, vm0, $0xb8;
	[tilespmem:$0x10400] =	vst v63  }
0x2f: {  	_ = 	snop  }
0x30: {  	[tilespmem:s11], [sflag:$0x1] =	stream.indirect_vreg.gather [hbm4b:s6+s3], $0x80, v3, vm0, $0xb8;
	[tilespmem:$0x10400] =	vst v63  }
0x31: {  	_ = 	snop  }
0x32: {  	[tilespmem:s13], [sflag:$0x1] =	stream.indirect_vreg.gather [hbm4b:s7+s3], $0x80, v3, vm0, $0xb8;
	[tilespmem:$0x10400] =	vst v63  }
0x33: {  	v3 =	vld [tilespmem:$0x10];
	_ =	sdelay $0x4  }
0x34: {  	v61 =	vshll.u32 v3, $0x3  }
0x35: {  	v3 =	vand.u32 $0x7, v3;
	v4 =	vand.u32 $0xFFFFFFC0, v61  }
0x36: {  	v3 =	vor.u32 v3, v4  }
0x37: {  	v4 =	vperm.xlane v3, v0;
	_ =	sdelay $0x1  }
0x38: {  	v4 =	vadd.s32 v1, v4;
	_ =	sdelay $0x4  }
0x39: {  	[tilespmem:s31], [sflag:$0x2] =	stream.indirect_vreg.gather [hbm4b:s1+s3], $0x80, v4, vm0, $0xb8;
	[tilespmem:$0x10400] =	vst v63  }
0x3a: {  	v3 =	vperm.xlane v3, v2  }
0x3b: {  	[tilespmem:s15], [sflag:$0x2] =	stream.indirect_vreg.gather [hbm4b:s5+s3], $0x80, v4, vm0, $0xb8;
	[tilespmem:$0x10400] =	vst v63  }
0x3c: {  	v3 =	vadd.s32 v1, v3  }
0x3d: {  	[tilespmem:s16], [sflag:$0x2] =	stream.indirect_vreg.gather [hbm4b:s6+s3], $0x80, v4, vm0, $0xb8;
	[tilespmem:$0x10400] =	vst v63  }
0x3e: {  	_ = 	snop  }
0x3f: {  	[tilespmem:s17], [sflag:$0x2] =	stream.indirect_vreg.gather [hbm4b:s7+s3], $0x80, v4, vm0, $0xb8;
	[tilespmem:$0x10400] =	vst v63  }
0x40: {  	_ = 	snop  }
0x41: {  	[tilespmem:s18], [sflag:$0x2] =	stream.indirect_vreg.gather [hbm4b:s1+s3], $0x80, v3, vm0, $0xb8;
	[tilespmem:$0x10400] =	vst v63  }
0x42: {  	_ = 	snop  }
0x43: {  	[tilespmem:s19], [sflag:$0x2] =	stream.indirect_vreg.gather [hbm4b:s5+s3], $0x80, v3, vm0, $0xb8;
	[tilespmem:$0x10400] =	vst v63  }
0x44: {  	_ = 	snop  }
0x45: {  	[tilespmem:s14], [sflag:$0x2] =	stream.indirect_vreg.gather [hbm4b:s6+s3], $0x80, v3, vm0, $0xb8;
	[tilespmem:$0x10400] =	vst v63  }
0x46: {  	s11 =	simm.s32 $0x7C00  }
0x47: {  	[tilespmem:s11], [sflag:$0x2] =	stream.indirect_vreg.gather [hbm4b:s7+s3], $0x80, v3, vm0, $0xb8;
	[tilespmem:$0x10400] =	vst v63  }
0x48: {  	v3 =	vld [tilespmem:$0x20];
	_ =	sdelay $0x4  }
0x49: {  	v62 =	vshll.u32 v3, $0x3  }
0x4a: {  	v3 =	vand.u32 $0x7, v3;
	v4 =	vand.u32 $0xFFFFFFC0, v62  }
0x4b: {  	v3 =	vor.u32 v3, v4  }
0x4c: {  	v4 =	vperm.xlane v3, v0;
	_ =	sdelay $0x1  }
0x4d: {  	v4 =	vadd.s32 v1, v4;
	_ =	sdelay $0x4  }
0x4e: {  	[tilespmem:s10], [sflag:$0x3] =	stream.indirect_vreg.gather [hbm4b:s1+s3], $0x80, v4, vm0, $0xb8;
	[tilespmem:$0x10400] =	vst v63  }
0x4f: {  	s13 =	simm.s32 $0x8C00;
	v3 =	vperm.xlane v3, v2  }
0x50: {  	[tilespmem:s13], [sflag:$0x3] =	stream.indirect_vreg.gather [hbm4b:s5+s3], $0x80, v4, vm0, $0xb8;
	[tilespmem:$0x10400] =	vst v63  }
0x51: {  	s14 =	simm.s32 $0x9400;
	v3 =	vadd.s32 v1, v3  }
0x52: {  	[tilespmem:s14], [sflag:$0x3] =	stream.indirect_vreg.gather [hbm4b:s6+s3], $0x80, v4, vm0, $0xb8;
	[tilespmem:$0x10400] =	vst v63  }
0x53: {  	s15 =	simm.s32 $0x9C00  }
0x54: {  	[tilespmem:s15], [sflag:$0x3] =	stream.indirect_vreg.gather [hbm4b:s7+s3], $0x80, v4, vm0, $0xb8;
	[tilespmem:$0x10400] =	vst v63  }
0x55: {  	s16 =	simm.s32 $0xA400  }
0x56: {  	[tilespmem:s16], [sflag:$0x3] =	stream.indirect_vreg.gather [hbm4b:s1+s3], $0x80, v3, vm0, $0xb8;
	[tilespmem:$0x10400] =	vst v63  }
0x57: {  	s17 =	simm.s32 $0xAC00  }
0x58: {  	[tilespmem:s17], [sflag:$0x3] =	stream.indirect_vreg.gather [hbm4b:s5+s3], $0x80, v3, vm0, $0xb8;
	[tilespmem:$0x10400] =	vst v63  }
0x59: {  	s18 =	simm.s32 $0xB400  }
0x5a: {  	[tilespmem:s18], [sflag:$0x3] =	stream.indirect_vreg.gather [hbm4b:s6+s3], $0x80, v3, vm0, $0xb8;
	[tilespmem:$0x10400] =	vst v63  }
0x5b: {  	s19 =	simm.s32 $0xBC00  }
0x5c: {  	[tilespmem:s19], [sflag:$0x3] =	stream.indirect_vreg.gather [hbm4b:s7+s3], $0x80, v3, vm0, $0xb8;
	[tilespmem:$0x10400] =	vst v63  }
0x5d: {  	v3 =	vld [tilespmem:$0x30];
	_ =	sdelay $0x4  }
0x5e: {  	v63 =	vshll.u32 v3, $0x3  }
0x5f: {  	v3 =	vand.u32 $0x7, v3;
	v4 =	vand.u32 $0xFFFFFFC0, v63  }
0x60: {  	v3 =	vor.u32 v3, v4  }
0x61: {  	v4 =	vperm.xlane v3, v0;
	_ =	sdelay $0x1  }
0x62: {  	v4 =	vadd.s32 v1, v4;
	_ =	sdelay $0x4  }
0x63: {  	[tilespmem:s12], [sflag:$0x4] =	stream.indirect_vreg.gather [hbm4b:s1+s3], $0x80, v4, vm0, $0xb8;
	[tilespmem:$0x10400] =	vst v63  }
0x64: {  	s20 =	simm.s32 $0xCC00;
	v3 =	vperm.xlane v3, v2  }
0x65: {  	[tilespmem:s20], [sflag:$0x4] =	stream.indirect_vreg.gather [hbm4b:s5+s3], $0x80, v4, vm0, $0xb8;
	[tilespmem:$0x10400] =	vst v63  }
0x66: {  	s22 =	simm.s32 $0xD400;
	v3 =	vadd.s32 v1, v3  }
0x67: {  	[tilespmem:s22], [sflag:$0x4] =	stream.indirect_vreg.gather [hbm4b:s6+s3], $0x80, v4, vm0, $0xb8;
	[tilespmem:$0x10400] =	vst v63  }
0x68: {  	s31 =	simm.s32 $0xDC00  }
0x69: {  	[tilespmem:s31], [sflag:$0x4] =	stream.indirect_vreg.gather [hbm4b:s7+s3], $0x80, v4, vm0, $0xb8;
	[tilespmem:$0x10400] =	vst v63  }
0x6a: {  	s0 =	simm.s32 $0x0;
	s16 =	simm.s32 $0xE400  }
0x6b: {  	[tilespmem:s16], [sflag:$0x4] =	stream.indirect_vreg.gather [hbm4b:s1+s3], $0x80, v3, vm0, $0xb8;
	[tilespmem:$0x10400] =	vst v63  }
0x6c: {  	s2 =	simm.s32 $0x70;
	s9 =	simm.s32 $0xFC00;
	s18 =	simm.s32 $0xEC00  }
0x6d: {  	[tilespmem:s18], [sflag:$0x4] =	stream.indirect_vreg.gather [hbm4b:s5+s3], $0x80, v3, vm0, $0xb8;
	[tilespmem:$0x10400] =	vst v63  }
0x6e: {  	s11 =	simm.s32 $0x2C00;
	s14 =	simm.s32 $0x7400;
	s20 =	simm.s32 $0xF400  }
0x6f: {  	[tilespmem:s20], [sflag:$0x4] =	stream.indirect_vreg.gather [hbm4b:s6+s3], $0x80, v3, vm0, $0xb8;
	[tilespmem:$0x10400] =	vst v63  }
0x70: {  	s15 =	simm.s32 $0x3C00;
	s17 =	simm.s32 $0x5400;
	s19 =	simm.s32 $0x6400  }
0x71: {  	[tilespmem:s9], [sflag:$0x4] =	stream.indirect_vreg.gather [hbm4b:s7+s3], $0x80, v3, vm0, $0xb8;
	[tilespmem:$0x10400] =	vst v63  }
.LBB2_2:
0x72: {  	_ =	swait.ge [sflag:s21], $0x4000  }
0x73: {  	s4 =	rddreg [dreg:$0x4];
	[sflag:s21] =	ssyncset.done $0x0  }
0x74: {  	s31 =	simm.s32 $0x400;
	[sflag:s21] =	ssyncadd.s32 $0xFFFFC000;
	s4 =	sadd.s32 s0, s4  }
0x75: {  	[hbm4b:s4+s3] =	stream.linear.scatter [tilespmem:s31], [sflag:$0x5], $0x4000, $0x38;
	[tilespmem:$0x10400] =	vst v63  }
0x76: {  	_ =	swait.ge [sflag:s23], $0x4000  }
0x77: {  	[sflag:s23] =	ssyncset.done $0x0  }
0x78: {  	s10 =	simm.s32 $0x4400;
	s8 =	sadd.s32 $0x800, s4;
	[sflag:s23] =	ssyncadd.s32 $0xFFFFC000  }
0x79: {  	[hbm4b:s8+s3] =	stream.linear.scatter [tilespmem:s10], [sflag:$0x6], $0x4000, $0x38;
	[tilespmem:$0x10400] =	vst v63  }
0x7a: {  	_ =	swait.ge [sflag:s24], $0x4000  }
0x7b: {  	[sflag:s24] =	ssyncset.done $0x0  }
0x7c: {  	s13 =	simm.s32 $0x8400;
	s22 =	sadd.s32 $0x1000, s4;
	[sflag:s24] =	ssyncadd.s32 $0xFFFFC000  }
0x7d: {  	[hbm4b:s22+s3] =	stream.linear.scatter [tilespmem:s13], [sflag:$0x7], $0x4000, $0x38;
	[tilespmem:$0x10400] =	vst v63  }
0x7e: {  	_ =	swait.ge [sflag:s25], $0x4000  }
0x7f: {  	[sflag:s25] =	ssyncset.done $0x0  }
0x80: {  	s4 =	sadd.s32 $0x1800, s4;
	[sflag:s25] =	ssyncadd.s32 $0xFFFFC000  }
0x81: {  	[hbm4b:s4+s3] =	stream.linear.scatter [tilespmem:s12], [sflag:$0x8], $0x4000, $0x38;
	[tilespmem:$0x10400] =	vst v63  }
0x82: {  	_ =	swait.ge [sflag:s26], $0x4000  }
0x83: {  	[sflag:s26] =	ssyncset.done $0x0  }
0x84: {  	[sflag:s26] =	ssyncadd.s32 $0xFFFFC000  }
0x85: {  	v3 =	vld [tilespmem:s2+$0xFFFFFFD0];
	_ =	sdelay $0x4  }
0x86: {  	v4 =	vshll.u32 v3, $0x3  }
0x87: {  	v3 =	vand.u32 $0x7, v3;
	v4 =	vand.u32 $0xFFFFFFC0, v4  }
0x88: {  	v3 =	vor.u32 v3, v4  }
0x89: {  	v4 =	vperm.xlane v3, v0;
	_ =	sdelay $0x1  }
0x8a: {  	v4 =	vadd.s32 v1, v4;
	_ =	sdelay $0x4  }
0x8b: {  	[tilespmem:s31], [sflag:$0x1] =	stream.indirect_vreg.gather [hbm4b:s1+s3], $0x80, v4, vm0, $0xb8;
	[tilespmem:$0x10400] =	vst v63  }
0x8c: {  	s4 =	simm.s32 $0xC00;
	v3 =	vperm.xlane v3, v2  }
0x8d: {  	[tilespmem:s4], [sflag:$0x1] =	stream.indirect_vreg.gather [hbm4b:s5+s3], $0x80, v4, vm0, $0xb8;
	[tilespmem:$0x10400] =	vst v63  }
0x8e: {  	s8 =	simm.s32 $0x1400;
	v3 =	vadd.s32 v1, v3  }
0x8f: {  	[tilespmem:s8], [sflag:$0x1] =	stream.indirect_vreg.gather [hbm4b:s6+s3], $0x80, v4, vm0, $0xb8;
	[tilespmem:$0x10400] =	vst v63  }
0x90: {  	s31 =	simm.s32 $0x1C00  }
0x91: {  	[tilespmem:s31], [sflag:$0x1] =	stream.indirect_vreg.gather [hbm4b:s7+s3], $0x80, v4, vm0, $0xb8;
	[tilespmem:$0x10400] =	vst v63  }
0x92: {  	s31 =	simm.s32 $0x2400  }
0x93: {  	[tilespmem:s31], [sflag:$0x1] =	stream.indirect_vreg.gather [hbm4b:s1+s3], $0x80, v3, vm0, $0xb8;
	[tilespmem:$0x10400] =	vst v63  }
0x94: {  	_ = 	snop  }
0x95: {  	[tilespmem:s11], [sflag:$0x1] =	stream.indirect_vreg.gather [hbm4b:s5+s3], $0x80, v3, vm0, $0xb8;
	[tilespmem:$0x10400] =	vst v63  }
0x96: {  	s31 =	simm.s32 $0x3400  }
0x97: {  	[tilespmem:s31], [sflag:$0x1] =	stream.indirect_vreg.gather [hbm4b:s6+s3], $0x80, v3, vm0, $0xb8;
	[tilespmem:$0x10400] =	vst v63  }
0x98: {  	_ = 	snop  }
0x99: {  	[tilespmem:s15], [sflag:$0x1] =	stream.indirect_vreg.gather [hbm4b:s7+s3], $0x80, v3, vm0, $0xb8;
	[tilespmem:$0x10400] =	vst v63  }
0x9a: {  	_ =	swait.ge [sflag:s28], $0x4000  }
0x9b: {  	[sflag:s28] =	ssyncset.done $0x0  }
0x9c: {  	[sflag:s28] =	ssyncadd.s32 $0xFFFFC000  }
0x9d: {  	v3 =	vld [tilespmem:s2+$0xFFFFFFE0];
	_ =	sdelay $0x4  }
0x9e: {  	v61 =	vshll.u32 v3, $0x3  }
0x9f: {  	v3 =	vand.u32 $0x7, v3;
	v4 =	vand.u32 $0xFFFFFFC0, v61  }
0xa0: {  	v3 =	vor.u32 v3, v4  }
0xa1: {  	v4 =	vperm.xlane v3, v0;
	_ =	sdelay $0x1  }
0xa2: {  	v4 =	vadd.s32 v1, v4;
	_ =	sdelay $0x4  }
0xa3: {  	[tilespmem:s10], [sflag:$0x2] =	stream.indirect_vreg.gather [hbm4b:s1+s3], $0x80, v4, vm0, $0xb8;
	[tilespmem:$0x10400] =	vst v63  }
0xa4: {  	v3 =	vperm.xlane v3, v2;
	s10 =	simm.s32 $0x4C00  }
0xa5: {  	[tilespmem:s10], [sflag:$0x2] =	stream.indirect_vreg.gather [hbm4b:s5+s3], $0x80, v4, vm0, $0xb8;
	[tilespmem:$0x10400] =	vst v63  }
0xa6: {  	v3 =	vadd.s32 v1, v3  }
0xa7: {  	[tilespmem:s17], [sflag:$0x2] =	stream.indirect_vreg.gather [hbm4b:s6+s3], $0x80, v4, vm0, $0xb8;
	[tilespmem:$0x10400] =	vst v63  }
0xa8: {  	s10 =	simm.s32 $0x5C00  }
0xa9: {  	[tilespmem:s10], [sflag:$0x2] =	stream.indirect_vreg.gather [hbm4b:s7+s3], $0x80, v4, vm0, $0xb8;
	[tilespmem:$0x10400] =	vst v63  }
0xaa: {  	_ = 	snop  }
0xab: {  	[tilespmem:s19], [sflag:$0x2] =	stream.indirect_vreg.gather [hbm4b:s1+s3], $0x80, v3, vm0, $0xb8;
	[tilespmem:$0x10400] =	vst v63  }
0xac: {  	s10 =	simm.s32 $0x6C00  }
0xad: {  	[tilespmem:s10], [sflag:$0x2] =	stream.indirect_vreg.gather [hbm4b:s5+s3], $0x80, v3, vm0, $0xb8;
	[tilespmem:$0x10400] =	vst v63  }
0xae: {  	_ = 	snop  }
0xaf: {  	[tilespmem:s14], [sflag:$0x2] =	stream.indirect_vreg.gather [hbm4b:s6+s3], $0x80, v3, vm0, $0xb8;
	[tilespmem:$0x10400] =	vst v63  }
0xb0: {  	s10 =	simm.s32 $0x7C00  }
0xb1: {  	[tilespmem:s10], [sflag:$0x2] =	stream.indirect_vreg.gather [hbm4b:s7+s3], $0x80, v3, vm0, $0xb8;
	[tilespmem:$0x10400] =	vst v63  }
0xb2: {  	_ =	swait.ge [sflag:s29], $0x4000  }
0xb3: {  	[sflag:s29] =	ssyncset.done $0x0  }
0xb4: {  	[sflag:s29] =	ssyncadd.s32 $0xFFFFC000  }
0xb5: {  	v3 =	vld [tilespmem:s2+$0xFFFFFFF0];
	_ =	sdelay $0x4  }
0xb6: {  	v62 =	vshll.u32 v3, $0x3  }
0xb7: {  	v3 =	vand.u32 $0x7, v3;
	v4 =	vand.u32 $0xFFFFFFC0, v62  }
0xb8: {  	v3 =	vor.u32 v3, v4  }
0xb9: {  	v4 =	vperm.xlane v3, v0;
	_ =	sdelay $0x1  }
0xba: {  	v4 =	vadd.s32 v1, v4;
	_ =	sdelay $0x4  }
0xbb: {  	[tilespmem:s13], [sflag:$0x3] =	stream.indirect_vreg.gather [hbm4b:s1+s3], $0x80, v4, vm0, $0xb8;
	[tilespmem:$0x10400] =	vst v63  }
0xbc: {  	v3 =	vperm.xlane v3, v2;
	s13 =	simm.s32 $0x8C00  }
0xbd: {  	[tilespmem:s13], [sflag:$0x3] =	stream.indirect_vreg.gather [hbm4b:s5+s3], $0x80, v4, vm0, $0xb8;
	[tilespmem:$0x10400] =	vst v63  }
0xbe: {  	v3 =	vadd.s32 v1, v3;
	s13 =	simm.s32 $0x9400  }
0xbf: {  	[tilespmem:s13], [sflag:$0x3] =	stream.indirect_vreg.gather [hbm4b:s6+s3], $0x80, v4, vm0, $0xb8;
	[tilespmem:$0x10400] =	vst v63  }
0xc0: {  	s13 =	simm.s32 $0x9C00  }
0xc1: {  	[tilespmem:s13], [sflag:$0x3] =	stream.indirect_vreg.gather [hbm4b:s7+s3], $0x80, v4, vm0, $0xb8;
	[tilespmem:$0x10400] =	vst v63  }
0xc2: {  	s13 =	simm.s32 $0xA400  }
0xc3: {  	[tilespmem:s13], [sflag:$0x3] =	stream.indirect_vreg.gather [hbm4b:s1+s3], $0x80, v3, vm0, $0xb8;
	[tilespmem:$0x10400] =	vst v63  }
0xc4: {  	s13 =	simm.s32 $0xAC00  }
0xc5: {  	[tilespmem:s13], [sflag:$0x3] =	stream.indirect_vreg.gather [hbm4b:s5+s3], $0x80, v3, vm0, $0xb8;
	[tilespmem:$0x10400] =	vst v63  }
0xc6: {  	s13 =	simm.s32 $0xB400  }
0xc7: {  	[tilespmem:s13], [sflag:$0x3] =	stream.indirect_vreg.gather [hbm4b:s6+s3], $0x80, v3, vm0, $0xb8;
	[tilespmem:$0x10400] =	vst v63  }
0xc8: {  	s13 =	simm.s32 $0xBC00  }
0xc9: {  	[tilespmem:s13], [sflag:$0x3] =	stream.indirect_vreg.gather [hbm4b:s7+s3], $0x80, v3, vm0, $0xb8;
	[tilespmem:$0x10400] =	vst v63  }
0xca: {  	_ =	swait.ge [sflag:s30], $0x4000  }
0xcb: {  	[sflag:s30] =	ssyncset.done $0x0  }
0xcc: {  	[sflag:s30] =	ssyncadd.s32 $0xFFFFC000  }
0xcd: {  	v3 =	vld [tilespmem:s2+$0x0];
	_ =	sdelay $0x4  }
0xce: {  	v63 =	vshll.u32 v3, $0x3  }
0xcf: {  	v3 =	vand.u32 $0x7, v3;
	v4 =	vand.u32 $0xFFFFFFC0, v63  }
0xd0: {  	v3 =	vor.u32 v3, v4  }
0xd1: {  	v4 =	vperm.xlane v3, v0;
	_ =	sdelay $0x1  }
0xd2: {  	v4 =	vadd.s32 v1, v4;
	_ =	sdelay $0x4  }
0xd3: {  	[tilespmem:s12], [sflag:$0x4] =	stream.indirect_vreg.gather [hbm4b:s1+s3], $0x80, v4, vm0, $0xb8;
	[tilespmem:$0x10400] =	vst v63  }
0xd4: {  	s13 =	simm.s32 $0xCC00;
	v3 =	vperm.xlane v3, v2  }
0xd5: {  	[tilespmem:s13], [sflag:$0x4] =	stream.indirect_vreg.gather [hbm4b:s5+s3], $0x80, v4, vm0, $0xb8;
	[tilespmem:$0x10400] =	vst v63  }
0xd6: {  	v3 =	vadd.s32 v1, v3;
	s13 =	simm.s32 $0xD400  }
0xd7: {  	[tilespmem:s13], [sflag:$0x4] =	stream.indirect_vreg.gather [hbm4b:s6+s3], $0x80, v4, vm0, $0xb8;
	[tilespmem:$0x10400] =	vst v63  }
0xd8: {  	s13 =	simm.s32 $0xDC00  }
0xd9: {  	[tilespmem:s13], [sflag:$0x4] =	stream.indirect_vreg.gather [hbm4b:s7+s3], $0x80, v4, vm0, $0xb8;
	[tilespmem:$0x10400] =	vst v63  }
0xda: {  	_ = 	snop  }
0xdb: {  	[tilespmem:s16], [sflag:$0x4] =	stream.indirect_vreg.gather [hbm4b:s1+s3], $0x80, v3, vm0, $0xb8;
	[tilespmem:$0x10400] =	vst v63  }
0xdc: {  	p0 =	sne.s32 s0, $0x1C000  }
0xdd: {  	[tilespmem:s18], [sflag:$0x4] =	stream.indirect_vreg.gather [hbm4b:s5+s3], $0x80, v3, vm0, $0xb8;
	[tilespmem:$0x10400] =	vst v63  }
.Ltmp0:
0xde: {  	_ = 	snop;
	(pc) =	sbr.rel @p0 .LBB2_2-.Ltmp0, $4  }
0xdf: {  	s0 =	sadd.s32 $0x2000, s0;
	s22 =	simm.s32 $0x400  }
0xe0: {  	[tilespmem:s20], [sflag:$0x4] =	stream.indirect_vreg.gather [hbm4b:s6+s3], $0x80, v3, vm0, $0xb8;
	[tilespmem:$0x10400] =	vst v63  }
0xe1: {  	s31 =	simm.s32 $0x4400;
	s10 =	simm.s32 $0x8400;
	s2 =	sadd.s32 $0x40, s2  }
0xe2: {  	[tilespmem:s9], [sflag:$0x4] =	stream.indirect_vreg.gather [hbm4b:s7+s3], $0x80, v3, vm0, $0xb8;
	[tilespmem:$0x10400] =	vst v63  }
0xe3: {  	_ =	swait.ge [sflag:s21], $0x4000  }
0xe4: {  	[sflag:s21] =	ssyncset.done $0x0  }
0xe5: {  	s0 =	rddreg [dreg:$0x6];
	[sflag:s21] =	ssyncadd.s32 $0xFFFFC000  }
0xe6: {  	[hbm4b:s0+s3] =	stream.linear.scatter [tilespmem:s22], [sflag:$0x5], $0x4000, $0x38;
	[tilespmem:$0x10400] =	vst v63  }
0xe7: {  	_ =	swait.ge [sflag:s23], $0x4000  }
0xe8: {  	[sflag:s23] =	ssyncset.done $0x0  }
0xe9: {  	s17 =	rddreg [dreg:$0x7];
	[sflag:s23] =	ssyncadd.s32 $0xFFFFC000  }
0xea: {  	[hbm4b:s17+s3] =	stream.linear.scatter [tilespmem:s31], [sflag:$0x6], $0x4000, $0x38;
	[tilespmem:$0x10400] =	vst v63  }
0xeb: {  	_ =	swait.ge [sflag:s24], $0x4000  }
0xec: {  	[sflag:s24] =	ssyncset.done $0x0  }
0xed: {  	s18 =	rddreg [dreg:$0x8];
	[sflag:s24] =	ssyncadd.s32 $0xFFFFC000  }
0xee: {  	[hbm4b:s18+s3] =	stream.linear.scatter [tilespmem:s10], [sflag:$0x7], $0x4000, $0x38;
	[tilespmem:$0x10400] =	vst v63  }
0xef: {  	_ =	swait.ge [sflag:s25], $0x4000  }
0xf0: {  	[sflag:s25] =	ssyncset.done $0x0  }
0xf1: {  	s19 =	rddreg [dreg:$0x9];
	[sflag:s25] =	ssyncadd.s32 $0xFFFFC000  }
0xf2: {  	[hbm4b:s19+s3] =	stream.linear.scatter [tilespmem:s12], [sflag:$0x8], $0x4000, $0x38;
	[tilespmem:$0x10400] =	vst v63  }
0xf3: {  	_ =	swait.ge [sflag:s26], $0x4000  }
0xf4: {  	[sflag:s26] =	ssyncset.done $0x0  }
0xf5: {  	[sflag:s26] =	ssyncadd.s32 $0xFFFFC000  }
0xf6: {  	_ =	swait.ge [sflag:s28], $0x4000  }
0xf7: {  	[sflag:s28] =	ssyncset.done $0x0  }
0xf8: {  	[sflag:s28] =	ssyncadd.s32 $0xFFFFC000  }
0xf9: {  	_ =	swait.ge [sflag:s29], $0x4000  }
0xfa: {  	[sflag:s29] =	ssyncset.done $0x0  }
0xfb: {  	[sflag:s29] =	ssyncadd.s32 $0xFFFFC000  }
0xfc: {  	_ =	swait.ge [sflag:s30], $0x4000  }
0xfd: {  	s2 =	rddreg [dreg:$0xb]  }
0xfe: {  	s20 =	rddreg [dreg:$0xa];
	s2 =	sadd.s32 $0x1, s2  }
0xff: {  	p0 =	sne.s32 s2, s20  }
.Ltmp1:
0x100: {  	s9 =	simm.s32 $0x2400;
	s11 =	simm.s32 $0x3400;
	(pc) =	sbr.rel @p0 .LBB2_1-.Ltmp1, $4  }
0x101: {  	s13 =	simm.s32 $0x3C00;
	s15 =	simm.s32 $0x4C00;
	s16 =	simm.s32 $0x5400  }
0x102: {  	s14 =	simm.s32 $0x7400;
	s17 =	simm.s32 $0x5C00;
	[sflag:s30] =	ssyncset.done $0x0  }
0x103: {  	s18 =	simm.s32 $0x6400;
	s19 =	simm.s32 $0x6C00;
	[sflag:s30] =	ssyncadd.s32 $0xFFFFC000  }
0x104: {  	[dreg:$0xb] =	wrdreg s2;
	s2 =	simm.s32 $0x1C00;
	s20 =	simm.s32 $0x2C00  }
0x105: {  	_ =	sfence.sel $0x180000  }
0x106: {  	[bflag:$0x0] =	sbarrier.arrive $0xFFFF  }
0x107: {  	_ =	strace $0x90000047  }
0x108: {  	s0 =	stileid.u32;
	[bflag:$0x2] =	sbarrier.arrive $0xFFFF  }
0x109: {  	p0 =	sne.s32 s0, $0x0;
	s0 =	rddreg [dreg:$0x3]  }
0x10a: {  	s0 =	sadd.s32 @!p0 $0x100000, s0  }
0x10b: {  	[sflag:s0] =	ssyncadd.tile.s32 @!p0 $0x1;
	_ =	shalt  }
.Lfunc_end2:
_tile_overlayer_lowered:
.L_overlay_start_2:
0x10c: {  	(tag) =	ssettag $0x2  }
0x10d: {  	s0 =	rddreg [dreg:$0x0];
	s2 =	stileid.u32  }
0x10e: {  	s1 =	rddreg [dreg:$0x1];
	p0 =	sne.s32 s2, $0x0  }
0x10f: {  	s3 =	rddreg [dreg:$0x2];
	[bflag:$0x3] =	sbarrier.arrive $0xFFFF;
	s2 =	simm.s32 @!p0 $0x1C09  }
0x110: {  	[timem:s3], [sflag:s2] =	dma.local @!p0 [hbm:s0], s1  }
0x111: {  	s0 =	simm.s32 @!p0 $0x9  }
0x112: {  	_ =	swait.ge @!p0 [sflag:s0], s1  }
0x113: {  	s1 =	ssub.s32 @!p0 $0x0, s1;
	[sflag:s0] =	ssyncset.done @!p0 $0x0  }
0x114: {  	[sflag:s0] =	ssyncadd.s32 @!p0 s1  }
0x115: {  	[bflag:$0x3] =	sbarrier.arrive $0xFFFF  }
0x116: {  	_ =	shalt  }

</sc_bundles>
